<compile_context>
chip_gen: v7x
topology: tpu7x:2x2x1
jax: 0.10.2.dev20260603
libtpu: 0.0.44.dev20260713+nightly
codegen_flags: <defaults>
</compile_context>

<pallas_src>
import functools

import jax
import jax.numpy as jnp
import numpy as np
from jax import lax
from jax.experimental import pallas as pl
from jax.experimental.pallas import tpu as pltpu
from jax.experimental.pallas import tpu_sc as plsc

_RATIO = 0.7
_C = 19
_FLAT = _C * 128
_BLK_ROWS = 256
_NBINS = 4096
_HIST_WORDS = _NBINS * 16
_NW = 32
_SC_CHUNK = 8192
_FIN_CHUNK = 1024


def _ce_loss_kernel(x_ref, t_ref, s_ref, b_ref, pos_ref, out_ref):
    x = x_ref[...]
    m = jnp.max(x)
    e = jnp.exp(x - m)
    seg = jax.lax.dot_general(
        e, s_ref[...], (((1,), (0,)), ((), ())),
        preferred_element_type=jnp.float32)
    tf = t_ref[...].astype(jnp.float32)
    t_flat = jax.lax.dot_general(
        tf, b_ref[...], (((1,), (0,)), ((), ())),
        preferred_element_type=jnp.float32)
    pos = pos_ref[0:1, :]
    sel = jnp.where(t_flat == pos, x, 0.0)
    picked = jax.lax.dot_general(
        sel, s_ref[...], (((1,), (0,)), ((), ())),
        preferred_element_type=jnp.float32)
    loss = m + jnp.log(seg) - picked
    out_ref[...] = jax.lax.bitcast_convert_type(loss, jnp.int32)


def _sc_hist_kernel(l_hbm, out_hbm, data_v, hist_v, n_per_w):
    wid = lax.axis_index("s") * 2 + lax.axis_index("c")

    def zero_body(i, carry):
        hist_v[pl.ds(i * 16, 16)] = jnp.zeros((16,), jnp.int32)
        return carry

    jax.lax.fori_loop(0, _HIST_WORDS // 16, zero_body, 0)

    ones = jnp.ones((16,), jnp.int32)
    lane = jax.lax.broadcasted_iota(jnp.int32, (16,), 0)
    full = jnp.ones((16,), jnp.bool_)

    def bin_body(i, carry):
        bits = data_v[pl.ds(i * 16, 16)]
        binv = lax.shift_right_logical(bits, 19)
        addr = binv * 16 + lane
        plsc.addupdate_scatter(hist_v, [addr], ones, mask=full)
        return carry

    base = wid * n_per_w
    for o in range(n_per_w // _SC_CHUNK):
        pltpu.sync_copy(l_hbm.at[pl.ds(base + o * _SC_CHUNK, _SC_CHUNK)],
                        data_v)
        jax.lax.fori_loop(0, _SC_CHUNK // 16, bin_body, 0)

    pltpu.sync_copy(hist_v, out_hbm.at[wid])


def _finalize_kernel(h_ref, l_ref, out_ref, merged_ref, *, num_kept):
    rows = _HIST_WORDS // 128
    acc = h_ref[pl.ds(0, rows), :]
    for w in range(1, _NW):
        acc = acc + h_ref[pl.ds(w * rows, rows), :]
    merged_ref[...] = acc

    pos = (jax.lax.broadcasted_iota(jnp.int32, (rows, 128), 0) * 128
           + jax.lax.broadcasted_iota(jnp.int32, (rows, 128), 1))

    def count_ge(b):
        return jnp.sum(jnp.where(pos >= b * 16, merged_ref[...], 0))

    def search_body(_, carry):
        lo, hi = carry
        mid = lo + ((hi - lo + 1) >> 1)
        ge = count_ge(mid) >= num_kept
        return (jnp.where(ge, mid, lo), jnp.where(ge, hi, mid - 1))

    bstar, _ = jax.lax.fori_loop(
        0, 12, search_body, (jnp.int32(0), jnp.int32(_NBINS - 1)))

    n_chunks = l_ref.shape[0] // _FIN_CHUNK

    def final_body(c, carry):
        s_gt, c_gt, s_in, c_in = carry
        b = l_ref[pl.ds(c * _FIN_CHUNK, _FIN_CHUNK), :]
        x = jax.lax.bitcast_convert_type(b, jnp.float32)
        pfx = lax.shift_right_logical(b, 19)
        gt = pfx > bstar
        eq = pfx == bstar
        s_gt = s_gt + jnp.sum(jnp.where(gt, x, 0.0))
        c_gt = c_gt + jnp.sum(gt.astype(jnp.int32))
        s_in = s_in + jnp.sum(jnp.where(eq, x, 0.0))
        c_in = c_in + jnp.sum(eq.astype(jnp.int32))
        return (s_gt, c_gt, s_in, c_in)

    s_gt, c_gt, s_in, c_in = jax.lax.fori_loop(
        0, n_chunks, final_body,
        (jnp.float32(0.0), jnp.int32(0), jnp.float32(0.0), jnp.int32(0)))

    take = (num_kept - c_gt).astype(jnp.float32)
    kept_sum = s_gt + take * (s_in / c_in.astype(jnp.float32))
    out_ref[...] = jnp.reshape(kept_sum / jnp.float32(num_kept), (1, 1))


def _seg_matrices():
    j = np.arange(_FLAT)
    s = np.zeros((_FLAT, 128), np.float32)
    s[j, j // _C] = 1.0
    b = s.T.copy()
    pos = np.tile((j % _C).astype(np.float32), (8, 1))
    return jnp.asarray(s), jnp.asarray(b), jnp.asarray(pos)


def kernel(inputs, targets):
    n, c = inputs.shape
    num_kept = max(1, int(n * _RATIO))
    flat_rows = n * c // _FLAT
    x_flat = inputs.reshape(flat_rows, _FLAT)
    t2 = targets.astype(jnp.int32).reshape(flat_rows, 128)
    s_mat, b_mat, pos = _seg_matrices()

    nb = flat_rows // _BLK_ROWS
    loss_bits = pl.pallas_call(
        _ce_loss_kernel,
        grid=(nb,),
        in_specs=[
            pl.BlockSpec((_BLK_ROWS, _FLAT), lambda i: (i, 0)),
            pl.BlockSpec((_BLK_ROWS, 128), lambda i: (i, 0)),
            pl.BlockSpec((_FLAT, 128), lambda i: (0, 0)),
            pl.BlockSpec((128, _FLAT), lambda i: (0, 0)),
            pl.BlockSpec((8, _FLAT), lambda i: (0, 0)),
        ],
        out_specs=pl.BlockSpec((_BLK_ROWS, 128), lambda i: (i, 0)),
        out_shape=jax.ShapeDtypeStruct((flat_rows, 128), jnp.int32),
    )(x_flat, t2, s_mat, b_mat, pos)

    n_per_w = n // _NW
    mesh = plsc.VectorSubcoreMesh(core_axis_name="c", subcore_axis_name="s")
    hist = functools.partial(
        pl.kernel,
        mesh=mesh,
        compiler_params=pltpu.CompilerParams(needs_layout_passes=False),
        out_type=jax.ShapeDtypeStruct((_NW, _HIST_WORDS), jnp.int32),
        scratch_types=[
            pltpu.VMEM((_SC_CHUNK,), jnp.int32),
            pltpu.VMEM((_HIST_WORDS,), jnp.int32),
        ],
    )(functools.partial(_sc_hist_kernel, n_per_w=n_per_w))
    hists = hist(loss_bits.reshape(n))

    out = pl.pallas_call(
        functools.partial(_finalize_kernel, num_kept=num_kept),
        out_shape=jax.ShapeDtypeStruct((1, 1), jnp.float32),
        scratch_shapes=[pltpu.VMEM((_HIST_WORDS // 128, 128), jnp.int32)],
    )(hists.reshape(_NW * _HIST_WORDS // 128, 128), loss_bits)
    return out[0, 0]

# --- scband reference (transcript-rebuilt; emitter-appended) ---
"""Pipeline reference for scband-online-hard-example-mining-28896539968195 (READ-ONLY COPY).

The authoritative reference and input builder live on the scoring server;
editing this copy changes nothing except your own understanding.
"""

import jax, jax.numpy as jnp
import numpy as np

RATIO = 0.7
MIN_KEPT = 1
N = 2097152
C = 19

def setup_inputs(seed: int = 0) -> dict:
    key = jax.random.key(seed)
    k1, k2 = jax.random.split(key)
    inputs = jax.random.normal(k1, (N, C), dtype=jnp.float32)
    targets = jax.random.randint(k2, (N,), 0, C, dtype=jnp.int64)
    return {"inputs": inputs, "targets": targets}

def reference(inputs, targets):
    # per-sample cross-entropy (reduction='none')
    logz = jax.nn.logsumexp(inputs, axis=1)
    picked = jnp.take_along_axis(inputs, targets[:, None].astype(jnp.int32), axis=1)[:, 0]
    losses = logz - picked
    batch_size = inputs.shape[0]
    num_kept = max(MIN_KEPT, int(batch_size * RATIO))
    # sort descending, keep hardest num_kept
    sorted_losses = -jnp.sort(-losses)
    kept_losses = sorted_losses[:num_kept]
    return kept_losses.mean()

if __name__ == "__main__":
    import jax
    _d = setup_inputs()
    print(jax.jit(kernel)(*tuple(_d.values())))

</pallas_src>

<mosaic_0001>
#map = affine_map<(d0, d1) -> (0)>
#map1 = affine_map<(d0, d1) -> (0, 0)>
module attributes {stable_mosaic.version = 14 : i64} {
  func.func @_sc_hist_kernel(%arg0: i32, %arg1: i32, %arg2: memref<2097152xi32, #tpu.memory_space<hbm>>, %arg3: memref<32x65536xi32, #tpu.memory_space<hbm>>, %arg4: memref<8192xi32, #tpu.memory_space<vmem>>, %arg5: memref<65536xi32, #tpu.memory_space<vmem>>) attributes {dimension_semantics = [#tpu.dimension_semantics<core_parallel>, #tpu.dimension_semantics<subcore_parallel>], iteration_bounds = array<i64: 2, 16>, scalar_prefetch = 0 : i64, scratch_operands = 2 : i64, tpu.core_type = #tpu.core_type<sc_vector_subcore>, window_params = [{transform_indices = #map}, {transform_indices = #map1}]} {
    %mul3A = arith.constant 2 : i32
    %mul3A_0 = arith.muli %arg1, %mul3A : i32
    %add3A = arith.addi %mul3A_0, %arg0 : i32
    %scan3A = arith.constant 0 : i32
    %scan3A_1 = arith.constant 0 : i32
    %scan3A_2 = arith.constant 4096 : i32
    %scan3A_3 = arith.addi %scan3A_1, %scan3A_2 : i32
    %scan3A_4 = arith.constant 1 : i32
    scf.for %scan3A_75 = %scan3A_1 to %scan3A_3 step %scan3A_4  : i32 {
      %broadcast_in_dim3A_76 = arith.constant 0 : i32
      %broadcast_in_dim3A_77 = vector.broadcast %broadcast_in_dim3A_76 : i32 to vector<16xi32>
      %mul3A_78 = arith.constant 16 : i32
      %mul3A_79 = arith.muli %scan3A_75, %mul3A_78 : i32
      %swap3A = arith.index_cast %mul3A_79 : i32 to index
      %swap3A_80 = tpu.vector_load %arg5[%swap3A] {strides = array<i32>} : memref<65536xi32, #tpu.memory_space<vmem>>, vector<16xi32>,
      tpu.vector_store %arg5[%swap3A], %broadcast_in_dim3A_77 {strides = array<i32>} : memref<65536xi32, #tpu.memory_space<vmem>>, vector<16xi32>,
    }
    %scan3A_5 = arith.constant 4096 : i32
    %broadcast_in_dim3A = arith.constant 1 : i32
    %broadcast_in_dim3A_6 = vector.broadcast %broadcast_in_dim3A : i32 to vector<16xi32>
    %iota3A = tpu.iota {dimensions = array<i32: 0>} : vector<16xi32>
    %broadcast_in_dim3A_7 = arith.constant true
    %broadcast_in_dim3A_8 = vector.broadcast %broadcast_in_dim3A_7 : i1 to vector<16xi1>
    %mul3A_9 = arith.constant 65536 : i32
    %mul3A_10 = arith.muli %add3A, %mul3A_9 : i32
    %add3A_11 = arith.constant 0 : i32
    %add3A_12 = arith.addi %mul3A_10, %add3A_11 : i32
    "tpu.region"() ({
      %run_scoped3A = tpu.sem_alloc : memref<!tpu.dma_semaphore, #tpu.memory_space<semaphore_mem>>
      %dma_start3A = tpu.memref_slice %arg2[%add3A_12] : memref<2097152xi32, #tpu.memory_space<hbm>> -> memref<8192xi32, #tpu.memory_space<hbm>>
      %dma_start3A_75 = tpu.memref_slice %arg2[%add3A_12] : memref<2097152xi32, #tpu.memory_space<hbm>> -> memref<8192xi32, #tpu.memory_space<hbm>>
      tpu.enqueue_dma source(%dma_start3A_75 : memref<8192xi32, #tpu.memory_space<hbm>>) target(%arg4 : memref<8192xi32, #tpu.memory_space<vmem>>) target_semaphore(%run_scoped3A : memref<!tpu.dma_semaphore, #tpu.memory_space<semaphore_mem>>)
      %dma_wait3A = tpu.memref_slice %arg2[%add3A_12] : memref<2097152xi32, #tpu.memory_space<hbm>> -> memref<8192xi32, #tpu.memory_space<hbm>>
      %dma_wait3A_76 = tpu.memref_slice %arg2[%add3A_12] : memref<2097152xi32, #tpu.memory_space<hbm>> -> memref<8192xi32, #tpu.memory_space<hbm>>
      tpu.wait_dma2 semaphore(%run_scoped3A : memref<!tpu.dma_semaphore, #tpu.memory_space<semaphore_mem>>) src(%dma_wait3A_76 : memref<8192xi32, #tpu.memory_space<hbm>>) dst(%arg4 : memref<8192xi32, #tpu.memory_space<vmem>>)
      tpu.yield
    }) : () -> ()
    %scan3A_13 = arith.constant 0 : i32
    %scan3A_14 = arith.constant 0 : i32
    %scan3A_15 = arith.constant 512 : i32
    %scan3A_16 = arith.addi %scan3A_14, %scan3A_15 : i32
    %scan3A_17 = arith.constant 1 : i32
    scf.for %scan3A_75 = %scan3A_14 to %scan3A_16 step %scan3A_17  : i32 {
      %mul3A_76 = arith.constant 16 : i32
      %mul3A_77 = arith.muli %scan3A_75, %mul3A_76 : i32
      %get3A = arith.index_cast %mul3A_77 : i32 to index
      %get3A_78 = tpu.vector_load %arg4[%get3A] {strides = array<i32>} : memref<8192xi32, #tpu.memory_space<vmem>>, vector<16xi32>,
      %shift_right_logical3A = arith.constant 19 : i32
      %shift_right_logical3A_79 = vector.broadcast %shift_right_logical3A : i32 to vector<16xi32>
      %shift_right_logical3A_80 = arith.shrui %get3A_78, %shift_right_logical3A_79 : vector<16xi32>
      %mul3A_81 = arith.constant 16 : i32
      %mul3A_82 = vector.broadcast %mul3A_81 : i32 to vector<16xi32>
      %mul3A_83 = arith.muli %shift_right_logical3A_80, %mul3A_82 : vector<16xi32>
      %add3A_84 = arith.addi %mul3A_83, %iota3A : vector<16xi32>
      tpu.vector_store_idx %arg5[%add3A_84], %broadcast_in_dim3A_6 masked %broadcast_in_dim3A_8 {add = true} : memref<65536xi32, #tpu.memory_space<vmem>>[vector<16xi32>], vector<16xi32>, vector<16xi1>
    }
    %scan3A_18 = arith.constant 512 : i32
    %add3A_19 = arith.constant 8192 : i32
    %add3A_20 = arith.addi %mul3A_10, %add3A_19 : i32
    "tpu.region"() ({
      %run_scoped3A = tpu.sem_alloc : memref<!tpu.dma_semaphore, #tpu.memory_space<semaphore_mem>>
      %dma_start3A = tpu.memref_slice %arg2[%add3A_20] : memref<2097152xi32, #tpu.memory_space<hbm>> -> memref<8192xi32, #tpu.memory_space<hbm>>
      %dma_start3A_75 = tpu.memref_slice %arg2[%add3A_20] : memref<2097152xi32, #tpu.memory_space<hbm>> -> memref<8192xi32, #tpu.memory_space<hbm>>
      tpu.enqueue_dma source(%dma_start3A_75 : memref<8192xi32, #tpu.memory_space<hbm>>) target(%arg4 : memref<8192xi32, #tpu.memory_space<vmem>>) target_semaphore(%run_scoped3A : memref<!tpu.dma_semaphore, #tpu.memory_space<semaphore_mem>>)
      %dma_wait3A = tpu.memref_slice %arg2[%add3A_20] : memref<2097152xi32, #tpu.memory_space<hbm>> -> memref<8192xi32, #tpu.memory_space<hbm>>
      %dma_wait3A_76 = tpu.memref_slice %arg2[%add3A_20] : memref<2097152xi32, #tpu.memory_space<hbm>> -> memref<8192xi32, #tpu.memory_space<hbm>>
      tpu.wait_dma2 semaphore(%run_scoped3A : memref<!tpu.dma_semaphore, #tpu.memory_space<semaphore_mem>>) src(%dma_wait3A_76 : memref<8192xi32, #tpu.memory_space<hbm>>) dst(%arg4 : memref<8192xi32, #tpu.memory_space<vmem>>)
      tpu.yield
    }) : () -> ()
    %scan3A_21 = arith.constant 0 : i32
    %scan3A_22 = arith.constant 0 : i32
    %scan3A_23 = arith.constant 512 : i32
    %scan3A_24 = arith.addi %scan3A_22, %scan3A_23 : i32
    %scan3A_25 = arith.constant 1 : i32
    scf.for %scan3A_75 = %scan3A_22 to %scan3A_24 step %scan3A_25  : i32 {
      %mul3A_76 = arith.constant 16 : i32
      %mul3A_77 = arith.muli %scan3A_75, %mul3A_76 : i32
      %get3A = arith.index_cast %mul3A_77 : i32 to index
      %get3A_78 = tpu.vector_load %arg4[%get3A] {strides = array<i32>} : memref<8192xi32, #tpu.memory_space<vmem>>, vector<16xi32>,
      %shift_right_logical3A = arith.constant 19 : i32
      %shift_right_logical3A_79 = vector.broadcast %shift_right_logical3A : i32 to vector<16xi32>
      %shift_right_logical3A_80 = arith.shrui %get3A_78, %shift_right_logical3A_79 : vector<16xi32>
      %mul3A_81 = arith.constant 16 : i32
      %mul3A_82 = vector.broadcast %mul3A_81 : i32 to vector<16xi32>
      %mul3A_83 = arith.muli %shift_right_logical3A_80, %mul3A_82 : vector<16xi32>
      %add3A_84 = arith.addi %mul3A_83, %iota3A : vector<16xi32>
      tpu.vector_store_idx %arg5[%add3A_84], %broadcast_in_dim3A_6 masked %broadcast_in_dim3A_8 {add = true} : memref<65536xi32, #tpu.memory_space<vmem>>[vector<16xi32>], vector<16xi32>, vector<16xi1>
    }
    %scan3A_26 = arith.constant 512 : i32
    %add3A_27 = arith.constant 16384 : i32
    %add3A_28 = arith.addi %mul3A_10, %add3A_27 : i32
    "tpu.region"() ({
      %run_scoped3A = tpu.sem_alloc : memref<!tpu.dma_semaphore, #tpu.memory_space<semaphore_mem>>
      %dma_start3A = tpu.memref_slice %arg2[%add3A_28] : memref<2097152xi32, #tpu.memory_space<hbm>> -> memref<8192xi32, #tpu.memory_space<hbm>>
      %dma_start3A_75 = tpu.memref_slice %arg2[%add3A_28] : memref<2097152xi32, #tpu.memory_space<hbm>> -> memref<8192xi32, #tpu.memory_space<hbm>>
      tpu.enqueue_dma source(%dma_start3A_75 : memref<8192xi32, #tpu.memory_space<hbm>>) target(%arg4 : memref<8192xi32, #tpu.memory_space<vmem>>) target_semaphore(%run_scoped3A : memref<!tpu.dma_semaphore, #tpu.memory_space<semaphore_mem>>)
      %dma_wait3A = tpu.memref_slice %arg2[%add3A_28] : memref<2097152xi32, #tpu.memory_space<hbm>> -> memref<8192xi32, #tpu.memory_space<hbm>>
      %dma_wait3A_76 = tpu.memref_slice %arg2[%add3A_28] : memref<2097152xi32, #tpu.memory_space<hbm>> -> memref<8192xi32, #tpu.memory_space<hbm>>
      tpu.wait_dma2 semaphore(%run_scoped3A : memref<!tpu.dma_semaphore, #tpu.memory_space<semaphore_mem>>) src(%dma_wait3A_76 : memref<8192xi32, #tpu.memory_space<hbm>>) dst(%arg4 : memref<8192xi32, #tpu.memory_space<vmem>>)
      tpu.yield
    }) : () -> ()
    %scan3A_29 = arith.constant 0 : i32
    %scan3A_30 = arith.constant 0 : i32
    %scan3A_31 = arith.constant 512 : i32
    %scan3A_32 = arith.addi %scan3A_30, %scan3A_31 : i32
    %scan3A_33 = arith.constant 1 : i32
    scf.for %scan3A_75 = %scan3A_30 to %scan3A_32 step %scan3A_33  : i32 {
      %mul3A_76 = arith.constant 16 : i32
      %mul3A_77 = arith.muli %scan3A_75, %mul3A_76 : i32
      %get3A = arith.index_cast %mul3A_77 : i32 to index
      %get3A_78 = tpu.vector_load %arg4[%get3A] {strides = array<i32>} : memref<8192xi32, #tpu.memory_space<vmem>>, vector<16xi32>,
      %shift_right_logical3A = arith.constant 19 : i32
      %shift_right_logical3A_79 = vector.broadcast %shift_right_logical3A : i32 to vector<16xi32>
      %shift_right_logical3A_80 = arith.shrui %get3A_78, %shift_right_logical3A_79 : vector<16xi32>
      %mul3A_81 = arith.constant 16 : i32
      %mul3A_82 = vector.broadcast %mul3A_81 : i32 to vector<16xi32>
      %mul3A_83 = arith.muli %shift_right_logical3A_80, %mul3A_82 : vector<16xi32>
      %add3A_84 = arith.addi %mul3A_83, %iota3A : vector<16xi32>
      tpu.vector_store_idx %arg5[%add3A_84], %broadcast_in_dim3A_6 masked %broadcast_in_dim3A_8 {add = true} : memref<65536xi32, #tpu.memory_space<vmem>>[vector<16xi32>], vector<16xi32>, vector<16xi1>
    }
    %scan3A_34 = arith.constant 512 : i32
    %add3A_35 = arith.constant 24576 : i32
    %add3A_36 = arith.addi %mul3A_10, %add3A_35 : i32
    "tpu.region"() ({
      %run_scoped3A = tpu.sem_alloc : memref<!tpu.dma_semaphore, #tpu.memory_space<semaphore_mem>>
      %dma_start3A = tpu.memref_slice %arg2[%add3A_36] : memref<2097152xi32, #tpu.memory_space<hbm>> -> memref<8192xi32, #tpu.memory_space<hbm>>
      %dma_start3A_75 = tpu.memref_slice %arg2[%add3A_36] : memref<2097152xi32, #tpu.memory_space<hbm>> -> memref<8192xi32, #tpu.memory_space<hbm>>
      tpu.enqueue_dma source(%dma_start3A_75 : memref<8192xi32, #tpu.memory_space<hbm>>) target(%arg4 : memref<8192xi32, #tpu.memory_space<vmem>>) target_semaphore(%run_scoped3A : memref<!tpu.dma_semaphore, #tpu.memory_space<semaphore_mem>>)
      %dma_wait3A = tpu.memref_slice %arg2[%add3A_36] : memref<2097152xi32, #tpu.memory_space<hbm>> -> memref<8192xi32, #tpu.memory_space<hbm>>
      %dma_wait3A_76 = tpu.memref_slice %arg2[%add3A_36] : memref<2097152xi32, #tpu.memory_space<hbm>> -> memref<8192xi32, #tpu.memory_space<hbm>>
      tpu.wait_dma2 semaphore(%run_scoped3A : memref<!tpu.dma_semaphore, #tpu.memory_space<semaphore_mem>>) src(%dma_wait3A_76 : memref<8192xi32, #tpu.memory_space<hbm>>) dst(%arg4 : memref<8192xi32, #tpu.memory_space<vmem>>)
      tpu.yield
    }) : () -> ()
    %scan3A_37 = arith.constant 0 : i32
    %scan3A_38 = arith.constant 0 : i32
    %scan3A_39 = arith.constant 512 : i32
    %scan3A_40 = arith.addi %scan3A_38, %scan3A_39 : i32
    %scan3A_41 = arith.constant 1 : i32
    scf.for %scan3A_75 = %scan3A_38 to %scan3A_40 step %scan3A_41  : i32 {
      %mul3A_76 = arith.constant 16 : i32
      %mul3A_77 = arith.muli %scan3A_75, %mul3A_76 : i32
      %get3A = arith.index_cast %mul3A_77 : i32 to index
      %get3A_78 = tpu.vector_load %arg4[%get3A] {strides = array<i32>} : memref<8192xi32, #tpu.memory_space<vmem>>, vector<16xi32>,
      %shift_right_logical3A = arith.constant 19 : i32
      %shift_right_logical3A_79 = vector.broadcast %shift_right_logical3A : i32 to vector<16xi32>
      %shift_right_logical3A_80 = arith.shrui %get3A_78, %shift_right_logical3A_79 : vector<16xi32>
      %mul3A_81 = arith.constant 16 : i32
      %mul3A_82 = vector.broadcast %mul3A_81 : i32 to vector<16xi32>
      %mul3A_83 = arith.muli %shift_right_logical3A_80, %mul3A_82 : vector<16xi32>
      %add3A_84 = arith.addi %mul3A_83, %iota3A : vector<16xi32>
      tpu.vector_store_idx %arg5[%add3A_84], %broadcast_in_dim3A_6 masked %broadcast_in_dim3A_8 {add = true} : memref<65536xi32, #tpu.memory_space<vmem>>[vector<16xi32>], vector<16xi32>, vector<16xi1>
    }
    %scan3A_42 = arith.constant 512 : i32
    %add3A_43 = arith.constant 32768 : i32
    %add3A_44 = arith.addi %mul3A_10, %add3A_43 : i32
    "tpu.region"() ({
      %run_scoped3A = tpu.sem_alloc : memref<!tpu.dma_semaphore, #tpu.memory_space<semaphore_mem>>
      %dma_start3A = tpu.memref_slice %arg2[%add3A_44] : memref<2097152xi32, #tpu.memory_space<hbm>> -> memref<8192xi32, #tpu.memory_space<hbm>>
      %dma_start3A_75 = tpu.memref_slice %arg2[%add3A_44] : memref<2097152xi32, #tpu.memory_space<hbm>> -> memref<8192xi32, #tpu.memory_space<hbm>>
      tpu.enqueue_dma source(%dma_start3A_75 : memref<8192xi32, #tpu.memory_space<hbm>>) target(%arg4 : memref<8192xi32, #tpu.memory_space<vmem>>) target_semaphore(%run_scoped3A : memref<!tpu.dma_semaphore, #tpu.memory_space<semaphore_mem>>)
      %dma_wait3A = tpu.memref_slice %arg2[%add3A_44] : memref<2097152xi32, #tpu.memory_space<hbm>> -> memref<8192xi32, #tpu.memory_space<hbm>>
      %dma_wait3A_76 = tpu.memref_slice %arg2[%add3A_44] : memref<2097152xi32, #tpu.memory_space<hbm>> -> memref<8192xi32, #tpu.memory_space<hbm>>
      tpu.wait_dma2 semaphore(%run_scoped3A : memref<!tpu.dma_semaphore, #tpu.memory_space<semaphore_mem>>) src(%dma_wait3A_76 : memref<8192xi32, #tpu.memory_space<hbm>>) dst(%arg4 : memref<8192xi32, #tpu.memory_space<vmem>>)
      tpu.yield
    }) : () -> ()
    %scan3A_45 = arith.constant 0 : i32
    %scan3A_46 = arith.constant 0 : i32
    %scan3A_47 = arith.constant 512 : i32
    %scan3A_48 = arith.addi %scan3A_46, %scan3A_47 : i32
    %scan3A_49 = arith.constant 1 : i32
    scf.for %scan3A_75 = %scan3A_46 to %scan3A_48 step %scan3A_49  : i32 {
      %mul3A_76 = arith.constant 16 : i32
      %mul3A_77 = arith.muli %scan3A_75, %mul3A_76 : i32
      %get3A = arith.index_cast %mul3A_77 : i32 to index
      %get3A_78 = tpu.vector_load %arg4[%get3A] {strides = array<i32>} : memref<8192xi32, #tpu.memory_space<vmem>>, vector<16xi32>,
      %shift_right_logical3A = arith.constant 19 : i32
      %shift_right_logical3A_79 = vector.broadcast %shift_right_logical3A : i32 to vector<16xi32>
      %shift_right_logical3A_80 = arith.shrui %get3A_78, %shift_right_logical3A_79 : vector<16xi32>
      %mul3A_81 = arith.constant 16 : i32
      %mul3A_82 = vector.broadcast %mul3A_81 : i32 to vector<16xi32>
      %mul3A_83 = arith.muli %shift_right_logical3A_80, %mul3A_82 : vector<16xi32>
      %add3A_84 = arith.addi %mul3A_83, %iota3A : vector<16xi32>
      tpu.vector_store_idx %arg5[%add3A_84], %broadcast_in_dim3A_6 masked %broadcast_in_dim3A_8 {add = true} : memref<65536xi32, #tpu.memory_space<vmem>>[vector<16xi32>], vector<16xi32>, vector<16xi1>
    }
    %scan3A_50 = arith.constant 512 : i32
    %add3A_51 = arith.constant 40960 : i32
    %add3A_52 = arith.addi %mul3A_10, %add3A_51 : i32
    "tpu.region"() ({
      %run_scoped3A = tpu.sem_alloc : memref<!tpu.dma_semaphore, #tpu.memory_space<semaphore_mem>>
      %dma_start3A = tpu.memref_slice %arg2[%add3A_52] : memref<2097152xi32, #tpu.memory_space<hbm>> -> memref<8192xi32, #tpu.memory_space<hbm>>
      %dma_start3A_75 = tpu.memref_slice %arg2[%add3A_52] : memref<2097152xi32, #tpu.memory_space<hbm>> -> memref<8192xi32, #tpu.memory_space<hbm>>
      tpu.enqueue_dma source(%dma_start3A_75 : memref<8192xi32, #tpu.memory_space<hbm>>) target(%arg4 : memref<8192xi32, #tpu.memory_space<vmem>>) target_semaphore(%run_scoped3A : memref<!tpu.dma_semaphore, #tpu.memory_space<semaphore_mem>>)
      %dma_wait3A = tpu.memref_slice %arg2[%add3A_52] : memref<2097152xi32, #tpu.memory_space<hbm>> -> memref<8192xi32, #tpu.memory_space<hbm>>
      %dma_wait3A_76 = tpu.memref_slice %arg2[%add3A_52] : memref<2097152xi32, #tpu.memory_space<hbm>> -> memref<8192xi32, #tpu.memory_space<hbm>>
      tpu.wait_dma2 semaphore(%run_scoped3A : memref<!tpu.dma_semaphore, #tpu.memory_space<semaphore_mem>>) src(%dma_wait3A_76 : memref<8192xi32, #tpu.memory_space<hbm>>) dst(%arg4 : memref<8192xi32, #tpu.memory_space<vmem>>)
      tpu.yield
    }) : () -> ()
    %scan3A_53 = arith.constant 0 : i32
    %scan3A_54 = arith.constant 0 : i32
    %scan3A_55 = arith.constant 512 : i32
    %scan3A_56 = arith.addi %scan3A_54, %scan3A_55 : i32
    %scan3A_57 = arith.constant 1 : i32
    scf.for %scan3A_75 = %scan3A_54 to %scan3A_56 step %scan3A_57  : i32 {
      %mul3A_76 = arith.constant 16 : i32
      %mul3A_77 = arith.muli %scan3A_75, %mul3A_76 : i32
      %get3A = arith.index_cast %mul3A_77 : i32 to index
      %get3A_78 = tpu.vector_load %arg4[%get3A] {strides = array<i32>} : memref<8192xi32, #tpu.memory_space<vmem>>, vector<16xi32>,
      %shift_right_logical3A = arith.constant 19 : i32
      %shift_right_logical3A_79 = vector.broadcast %shift_right_logical3A : i32 to vector<16xi32>
      %shift_right_logical3A_80 = arith.shrui %get3A_78, %shift_right_logical3A_79 : vector<16xi32>
      %mul3A_81 = arith.constant 16 : i32
      %mul3A_82 = vector.broadcast %mul3A_81 : i32 to vector<16xi32>
      %mul3A_83 = arith.muli %shift_right_logical3A_80, %mul3A_82 : vector<16xi32>
      %add3A_84 = arith.addi %mul3A_83, %iota3A : vector<16xi32>
      tpu.vector_store_idx %arg5[%add3A_84], %broadcast_in_dim3A_6 masked %broadcast_in_dim3A_8 {add = true} : memref<65536xi32, #tpu.memory_space<vmem>>[vector<16xi32>], vector<16xi32>, vector<16xi1>
    }
    %scan3A_58 = arith.constant 512 : i32
    %add3A_59 = arith.constant 49152 : i32
    %add3A_60 = arith.addi %mul3A_10, %add3A_59 : i32
    "tpu.region"() ({
      %run_scoped3A = tpu.sem_alloc : memref<!tpu.dma_semaphore, #tpu.memory_space<semaphore_mem>>
      %dma_start3A = tpu.memref_slice %arg2[%add3A_60] : memref<2097152xi32, #tpu.memory_space<hbm>> -> memref<8192xi32, #tpu.memory_space<hbm>>
      %dma_start3A_75 = tpu.memref_slice %arg2[%add3A_60] : memref<2097152xi32, #tpu.memory_space<hbm>> -> memref<8192xi32, #tpu.memory_space<hbm>>
      tpu.enqueue_dma source(%dma_start3A_75 : memref<8192xi32, #tpu.memory_space<hbm>>) target(%arg4 : memref<8192xi32, #tpu.memory_space<vmem>>) target_semaphore(%run_scoped3A : memref<!tpu.dma_semaphore, #tpu.memory_space<semaphore_mem>>)
      %dma_wait3A = tpu.memref_slice %arg2[%add3A_60] : memref<2097152xi32, #tpu.memory_space<hbm>> -> memref<8192xi32, #tpu.memory_space<hbm>>
      %dma_wait3A_76 = tpu.memref_slice %arg2[%add3A_60] : memref<2097152xi32, #tpu.memory_space<hbm>> -> memref<8192xi32, #tpu.memory_space<hbm>>
      tpu.wait_dma2 semaphore(%run_scoped3A : memref<!tpu.dma_semaphore, #tpu.memory_space<semaphore_mem>>) src(%dma_wait3A_76 : memref<8192xi32, #tpu.memory_space<hbm>>) dst(%arg4 : memref<8192xi32, #tpu.memory_space<vmem>>)
      tpu.yield
    }) : () -> ()
    %scan3A_61 = arith.constant 0 : i32
    %scan3A_62 = arith.constant 0 : i32
    %scan3A_63 = arith.constant 512 : i32
    %scan3A_64 = arith.addi %scan3A_62, %scan3A_63 : i32
    %scan3A_65 = arith.constant 1 : i32
    scf.for %scan3A_75 = %scan3A_62 to %scan3A_64 step %scan3A_65  : i32 {
      %mul3A_76 = arith.constant 16 : i32
      %mul3A_77 = arith.muli %scan3A_75, %mul3A_76 : i32
      %get3A = arith.index_cast %mul3A_77 : i32 to index
      %get3A_78 = tpu.vector_load %arg4[%get3A] {strides = array<i32>} : memref<8192xi32, #tpu.memory_space<vmem>>, vector<16xi32>,
      %shift_right_logical3A = arith.constant 19 : i32
      %shift_right_logical3A_79 = vector.broadcast %shift_right_logical3A : i32 to vector<16xi32>
      %shift_right_logical3A_80 = arith.shrui %get3A_78, %shift_right_logical3A_79 : vector<16xi32>
      %mul3A_81 = arith.constant 16 : i32
      %mul3A_82 = vector.broadcast %mul3A_81 : i32 to vector<16xi32>
      %mul3A_83 = arith.muli %shift_right_logical3A_80, %mul3A_82 : vector<16xi32>
      %add3A_84 = arith.addi %mul3A_83, %iota3A : vector<16xi32>
      tpu.vector_store_idx %arg5[%add3A_84], %broadcast_in_dim3A_6 masked %broadcast_in_dim3A_8 {add = true} : memref<65536xi32, #tpu.memory_space<vmem>>[vector<16xi32>], vector<16xi32>, vector<16xi1>
    }
    %scan3A_66 = arith.constant 512 : i32
    %add3A_67 = arith.constant 57344 : i32
    %add3A_68 = arith.addi %mul3A_10, %add3A_67 : i32
    "tpu.region"() ({
      %run_scoped3A = tpu.sem_alloc : memref<!tpu.dma_semaphore, #tpu.memory_space<semaphore_mem>>
      %dma_start3A = tpu.memref_slice %arg2[%add3A_68] : memref<2097152xi32, #tpu.memory_space<hbm>> -> memref<8192xi32, #tpu.memory_space<hbm>>
      %dma_start3A_75 = tpu.memref_slice %arg2[%add3A_68] : memref<2097152xi32, #tpu.memory_space<hbm>> -> memref<8192xi32, #tpu.memory_space<hbm>>
      tpu.enqueue_dma source(%dma_start3A_75 : memref<8192xi32, #tpu.memory_space<hbm>>) target(%arg4 : memref<8192xi32, #tpu.memory_space<vmem>>) target_semaphore(%run_scoped3A : memref<!tpu.dma_semaphore, #tpu.memory_space<semaphore_mem>>)
      %dma_wait3A = tpu.memref_slice %arg2[%add3A_68] : memref<2097152xi32, #tpu.memory_space<hbm>> -> memref<8192xi32, #tpu.memory_space<hbm>>
      %dma_wait3A_76 = tpu.memref_slice %arg2[%add3A_68] : memref<2097152xi32, #tpu.memory_space<hbm>> -> memref<8192xi32, #tpu.memory_space<hbm>>
      tpu.wait_dma2 semaphore(%run_scoped3A : memref<!tpu.dma_semaphore, #tpu.memory_space<semaphore_mem>>) src(%dma_wait3A_76 : memref<8192xi32, #tpu.memory_space<hbm>>) dst(%arg4 : memref<8192xi32, #tpu.memory_space<vmem>>)
      tpu.yield
    }) : () -> ()
    %scan3A_69 = arith.constant 0 : i32
    %scan3A_70 = arith.constant 0 : i32
    %scan3A_71 = arith.constant 512 : i32
    %scan3A_72 = arith.addi %scan3A_70, %scan3A_71 : i32
    %scan3A_73 = arith.constant 1 : i32
    scf.for %scan3A_75 = %scan3A_70 to %scan3A_72 step %scan3A_73  : i32 {
      %mul3A_76 = arith.constant 16 : i32
      %mul3A_77 = arith.muli %scan3A_75, %mul3A_76 : i32
      %get3A = arith.index_cast %mul3A_77 : i32 to index
      %get3A_78 = tpu.vector_load %arg4[%get3A] {strides = array<i32>} : memref<8192xi32, #tpu.memory_space<vmem>>, vector<16xi32>,
      %shift_right_logical3A = arith.constant 19 : i32
      %shift_right_logical3A_79 = vector.broadcast %shift_right_logical3A : i32 to vector<16xi32>
      %shift_right_logical3A_80 = arith.shrui %get3A_78, %shift_right_logical3A_79 : vector<16xi32>
      %mul3A_81 = arith.constant 16 : i32
      %mul3A_82 = vector.broadcast %mul3A_81 : i32 to vector<16xi32>
      %mul3A_83 = arith.muli %shift_right_logical3A_80, %mul3A_82 : vector<16xi32>
      %add3A_84 = arith.addi %mul3A_83, %iota3A : vector<16xi32>
      tpu.vector_store_idx %arg5[%add3A_84], %broadcast_in_dim3A_6 masked %broadcast_in_dim3A_8 {add = true} : memref<65536xi32, #tpu.memory_space<vmem>>[vector<16xi32>], vector<16xi32>, vector<16xi1>
    }
    %scan3A_74 = arith.constant 512 : i32
    "tpu.region"() ({
      %run_scoped3A = tpu.sem_alloc : memref<!tpu.dma_semaphore, #tpu.memory_space<semaphore_mem>>
      %dma_start3A = arith.constant 0 : i32
      %dma_start3A_75 = tpu.memref_slice %arg3[%add3A, %dma_start3A] : memref<32x65536xi32, #tpu.memory_space<hbm>> -> memref<1x65536xi32, #tpu.memory_space<hbm>>
      %dma_start3A_76 = tpu.memref_squeeze %dma_start3A_75 : memref<1x65536xi32, #tpu.memory_space<hbm>> -> memref<65536xi32, #tpu.memory_space<hbm>>
      %dma_start3A_77 = arith.constant 0 : i32
      %dma_start3A_78 = tpu.memref_slice %arg3[%add3A, %dma_start3A_77] : memref<32x65536xi32, #tpu.memory_space<hbm>> -> memref<1x65536xi32, #tpu.memory_space<hbm>>
      %dma_start3A_79 = tpu.memref_squeeze %dma_start3A_78 : memref<1x65536xi32, #tpu.memory_space<hbm>> -> memref<65536xi32, #tpu.memory_space<hbm>>
      tpu.enqueue_dma source(%arg5 : memref<65536xi32, #tpu.memory_space<vmem>>) target(%dma_start3A_79 : memref<65536xi32, #tpu.memory_space<hbm>>) target_semaphore(%run_scoped3A : memref<!tpu.dma_semaphore, #tpu.memory_space<semaphore_mem>>)
      %dma_wait3A = arith.constant 0 : i32
      %dma_wait3A_80 = tpu.memref_slice %arg3[%add3A, %dma_wait3A] : memref<32x65536xi32, #tpu.memory_space<hbm>> -> memref<1x65536xi32, #tpu.memory_space<hbm>>
      %dma_wait3A_81 = tpu.memref_squeeze %dma_wait3A_80 : memref<1x65536xi32, #tpu.memory_space<hbm>> -> memref<65536xi32, #tpu.memory_space<hbm>>
      %dma_wait3A_82 = arith.constant 0 : i32
      %dma_wait3A_83 = tpu.memref_slice %arg3[%add3A, %dma_wait3A_82] : memref<32x65536xi32, #tpu.memory_space<hbm>> -> memref<1x65536xi32, #tpu.memory_space<hbm>>
      %dma_wait3A_84 = tpu.memref_squeeze %dma_wait3A_83 : memref<1x65536xi32, #tpu.memory_space<hbm>> -> memref<65536xi32, #tpu.memory_space<hbm>>
      tpu.wait_dma2 semaphore(%run_scoped3A : memref<!tpu.dma_semaphore, #tpu.memory_space<semaphore_mem>>) src(%arg5 : memref<65536xi32, #tpu.memory_space<vmem>>) dst(%dma_wait3A_84 : memref<65536xi32, #tpu.memory_space<hbm>>)
      tpu.yield
    }) : () -> ()
    return
  }
}

module attributes {stable_mosaic.version = 14 : i64} {
  func.func @_ce_loss_kernel(%arg0: i32, %arg1: memref<256x2432xf32, #tpu.memory_space<vmem>>, %arg2: memref<256x128xi32, #tpu.memory_space<vmem>>, %arg3: memref<2432x128xf32, #tpu.memory_space<vmem>>, %arg4: memref<128x2432xf32, #tpu.memory_space<vmem>>, %arg5: memref<8x2432xf32, #tpu.memory_space<vmem>>, %arg6: memref<256x128xi32, #tpu.memory_space<vmem>>) attributes {dimension_semantics = [#tpu.dimension_semantics<arbitrary>], iteration_bounds = array<i64: 64>, scalar_prefetch = 0 : i64, scratch_operands = 0 : i64, tpu.core_type = #tpu.core_type<tc>, window_params = [{transform_indices = @transform_0, window_bounds = array<i64: 256, 2432>}, {transform_indices = @transform_1, window_bounds = array<i64: 256, 128>}, {pipeline_mode = #tpu.pipeline_mode<synchronous>, transform_indices = @transform_2, window_bounds = array<i64: 2432, 128>}, {pipeline_mode = #tpu.pipeline_mode<synchronous>, transform_indices = @transform_3, window_bounds = array<i64: 128, 2432>}, {pipeline_mode = #tpu.pipeline_mode<synchronous>, transform_indices = @transform_4, window_bounds = array<i64: 8, 2432>}, {transform_indices = @transform_5, window_bounds = array<i64: 256, 128>}]} {
    %get3A = arith.constant 0 : index
    %get3A_0 = arith.constant 0 : index
    %get3A_1 = vector.load %arg1[%get3A, %get3A_0] : memref<256x2432xf32, #tpu.memory_space<vmem>>, vector<256x2432xf32>
    %reduce_max3A = vector.shape_cast %get3A_1 : vector<256x2432xf32> to vector<1x256x2432xf32>
    %reduce_max3A_2 = arith.constant dense<0xFF800000> : vector<1xf32>
    %reduce_max3A_3 = vector.multi_reduction <maximumf>, %reduce_max3A, %reduce_max3A_2 [1, 2] : vector<1x256x2432xf32> to vector<1xf32>
    %reduce_max3A_4 = vector.shape_cast %reduce_max3A_3 : vector<1xf32> to vector<1x1x1xf32>
    %reduce_max3A_5 = vector.extract %reduce_max3A_4[0, 0, 0] : f32 from vector<1x1x1xf32>
    %sub3A = vector.broadcast %reduce_max3A_5 : f32 to vector<256x2432xf32>
    %sub3A_6 = arith.subf %get3A_1, %sub3A : vector<256x2432xf32>
    %exp3A = math.exp %sub3A_6 : vector<256x2432xf32>
    %get3A_7 = arith.constant 0 : index
    %get3A_8 = arith.constant 0 : index
    %get3A_9 = vector.load %arg3[%get3A_7, %get3A_8] : memref<2432x128xf32, #tpu.memory_space<vmem>>, vector<2432x128xf32>
    %dot_general3A = arith.constant dense<0.000000e+00> : vector<256x128xf32>
    %dot_general3A_10 = tpu.matmul %exp3A, %get3A_9, %dot_general3A {dimension_numbers = #tpu.dot_dimension_numbers<[1], [0], [0], [1], [0, 0, 1, 1], [], []>, transpose_lhs_hint = false} : vector<256x2432xf32>, vector<2432x128xf32>, vector<256x128xf32> -> vector<256x128xf32>
    %get3A_11 = arith.constant 0 : index
    %get3A_12 = arith.constant 0 : index
    %get3A_13 = vector.load %arg2[%get3A_11, %get3A_12] : memref<256x128xi32, #tpu.memory_space<vmem>>, vector<256x128xi32>
    %convert_element_type3A = arith.sitofp %get3A_13 : vector<256x128xi32> to vector<256x128xf32>
    %get3A_14 = arith.constant 0 : index
    %get3A_15 = arith.constant 0 : index
    %get3A_16 = vector.load %arg4[%get3A_14, %get3A_15] : memref<128x2432xf32, #tpu.memory_space<vmem>>, vector<128x2432xf32>
    %dot_general3A_17 = arith.constant dense<0.000000e+00> : vector<256x2432xf32>
    %dot_general3A_18 = tpu.matmul %convert_element_type3A, %get3A_16, %dot_general3A_17 {dimension_numbers = #tpu.dot_dimension_numbers<[1], [0], [0], [1], [0, 0, 1, 1], [], []>, transpose_lhs_hint = false} : vector<256x128xf32>, vector<128x2432xf32>, vector<256x2432xf32> -> vector<256x2432xf32>
    %get3A_19 = arith.constant 0 : index
    %get3A_20 = arith.constant 0 : index
    %get3A_21 = vector.load %arg5[%get3A_19, %get3A_20] : memref<8x2432xf32, #tpu.memory_space<vmem>>, vector<1x2432xf32>
    %eq3A = vector.broadcast %get3A_21 : vector<1x2432xf32> to vector<256x2432xf32>
    %eq3A_22 = arith.cmpf oeq, %dot_general3A_18, %eq3A : vector<256x2432xf32>
    %jit3A = arith.constant 0.000000e+00 : f32
    %broadcast_in_dim3A = vector.broadcast %jit3A : f32 to vector<256x2432xf32>
    %select_n3A = arith.select %eq3A_22, %get3A_1, %broadcast_in_dim3A : vector<256x2432xi1>, vector<256x2432xf32>
    %get3A_23 = arith.constant 0 : index
    %get3A_24 = arith.constant 0 : index
    %get3A_25 = vector.load %arg3[%get3A_23, %get3A_24] : memref<2432x128xf32, #tpu.memory_space<vmem>>, vector<2432x128xf32>
    %dot_general3A_26 = arith.constant dense<0.000000e+00> : vector<256x128xf32>
    %dot_general3A_27 = tpu.matmul %select_n3A, %get3A_25, %dot_general3A_26 {dimension_numbers = #tpu.dot_dimension_numbers<[1], [0], [0], [1], [0, 0, 1, 1], [], []>, transpose_lhs_hint = false} : vector<256x2432xf32>, vector<2432x128xf32>, vector<256x128xf32> -> vector<256x128xf32>
    %log3A = math.log %dot_general3A_10 : vector<256x128xf32>
    %add3A = vector.broadcast %reduce_max3A_5 : f32 to vector<256x128xf32>
    %add3A_28 = arith.addf %add3A, %log3A : vector<256x128xf32>
    %sub3A_29 = arith.subf %add3A_28, %dot_general3A_27 : vector<256x128xf32>
    %bitcast_convert_type3A = tpu.bitcast %sub3A_29 : vector<256x128xf32> -> vector<256x128xi32>
    %swap3A = arith.constant 0 : index
    %swap3A_30 = arith.constant 0 : index
    %swap3A_31 = vector.load %arg6[%swap3A, %swap3A_30] : memref<256x128xi32, #tpu.memory_space<vmem>>, vector<256x128xi32>
    tpu.vector_store %arg6[%swap3A, %swap3A_30], %bitcast_convert_type3A {strides = array<i32>} : memref<256x128xi32, #tpu.memory_space<vmem>>, vector<256x128xi32>,
    return
  }
  func.func @transform_0(%arg0: i32) -> (i32, i32) {
    %c0_i32 = arith.constant 0 : i32
    %c0_i32_0 = arith.constant 0 : i32
    return %arg0, %c0_i32 : i32, i32
  }
  func.func @transform_1(%arg0: i32) -> (i32, i32) {
    %c0_i32 = arith.constant 0 : i32
    %c0_i32_0 = arith.constant 0 : i32
    return %arg0, %c0_i32 : i32, i32
  }
  func.func @transform_2(%arg0: i32) -> (i32, i32) {
    %c0_i32 = arith.constant 0 : i32
    %c0_i32_0 = arith.constant 0 : i32
    %c0_i32_1 = arith.constant 0 : i32
    return %c0_i32, %c0_i32_0 : i32, i32
  }
  func.func @transform_3(%arg0: i32) -> (i32, i32) {
    %c0_i32 = arith.constant 0 : i32
    %c0_i32_0 = arith.constant 0 : i32
    %c0_i32_1 = arith.constant 0 : i32
    return %c0_i32, %c0_i32_0 : i32, i32
  }
  func.func @transform_4(%arg0: i32) -> (i32, i32) {
    %c0_i32 = arith.constant 0 : i32
    %c0_i32_0 = arith.constant 0 : i32
    %c0_i32_1 = arith.constant 0 : i32
    return %c0_i32, %c0_i32_0 : i32, i32
  }
  func.func @transform_5(%arg0: i32) -> (i32, i32) {
    %c0_i32 = arith.constant 0 : i32
    %c0_i32_0 = arith.constant 0 : i32
    return %arg0, %c0_i32 : i32, i32
  }
}

module attributes {stable_mosaic.version = 14 : i64} {
  func.func @_finalize_kernel(%arg0: memref<16384x128xi32, #tpu.memory_space<vmem>>, %arg1: memref<16384x128xi32, #tpu.memory_space<vmem>>, %arg2: memref<1x1xf32, #tpu.memory_space<vmem>>, %arg3: memref<512x128xi32, #tpu.memory_space<vmem>>) attributes {dimension_semantics = [], scalar_prefetch = 0 : i64, scratch_operands = 1 : i64, tpu.core_type = #tpu.core_type<tc>} {
    %get3A = arith.constant 0 : index
    %get3A_0 = arith.constant 0 : index
    %get3A_1 = vector.load %arg0[%get3A, %get3A_0] : memref<16384x128xi32, #tpu.memory_space<vmem>>, vector<512x128xi32>
    %get3A_2 = arith.constant 512 : index
    %get3A_3 = arith.constant 0 : index
    %get3A_4 = vector.load %arg0[%get3A_2, %get3A_3] : memref<16384x128xi32, #tpu.memory_space<vmem>>, vector<512x128xi32>
    %add3A = arith.addi %get3A_1, %get3A_4 : vector<512x128xi32>
    %get3A_5 = arith.constant 1024 : index
    %get3A_6 = arith.constant 0 : index
    %get3A_7 = vector.load %arg0[%get3A_5, %get3A_6] : memref<16384x128xi32, #tpu.memory_space<vmem>>, vector<512x128xi32>
    %add3A_8 = arith.addi %add3A, %get3A_7 : vector<512x128xi32>
    %get3A_9 = arith.constant 1536 : index
    %get3A_10 = arith.constant 0 : index
    %get3A_11 = vector.load %arg0[%get3A_9, %get3A_10] : memref<16384x128xi32, #tpu.memory_space<vmem>>, vector<512x128xi32>
    %add3A_12 = arith.addi %add3A_8, %get3A_11 : vector<512x128xi32>
    %get3A_13 = arith.constant 2048 : index
    %get3A_14 = arith.constant 0 : index
    %get3A_15 = vector.load %arg0[%get3A_13, %get3A_14] : memref<16384x128xi32, #tpu.memory_space<vmem>>, vector<512x128xi32>
    %add3A_16 = arith.addi %add3A_12, %get3A_15 : vector<512x128xi32>
    %get3A_17 = arith.constant 2560 : index
    %get3A_18 = arith.constant 0 : index
    %get3A_19 = vector.load %arg0[%get3A_17, %get3A_18] : memref<16384x128xi32, #tpu.memory_space<vmem>>, vector<512x128xi32>
    %add3A_20 = arith.addi %add3A_16, %get3A_19 : vector<512x128xi32>
    %get3A_21 = arith.constant 3072 : index
    %get3A_22 = arith.constant 0 : index
    %get3A_23 = vector.load %arg0[%get3A_21, %get3A_22] : memref<16384x128xi32, #tpu.memory_space<vmem>>, vector<512x128xi32>
    %add3A_24 = arith.addi %add3A_20, %get3A_23 : vector<512x128xi32>
    %get3A_25 = arith.constant 3584 : index
    %get3A_26 = arith.constant 0 : index
    %get3A_27 = vector.load %arg0[%get3A_25, %get3A_26] : memref<16384x128xi32, #tpu.memory_space<vmem>>, vector<512x128xi32>
    %add3A_28 = arith.addi %add3A_24, %get3A_27 : vector<512x128xi32>
    %get3A_29 = arith.constant 4096 : index
    %get3A_30 = arith.constant 0 : index
    %get3A_31 = vector.load %arg0[%get3A_29, %get3A_30] : memref<16384x128xi32, #tpu.memory_space<vmem>>, vector<512x128xi32>
    %add3A_32 = arith.addi %add3A_28, %get3A_31 : vector<512x128xi32>
    %get3A_33 = arith.constant 4608 : index
    %get3A_34 = arith.constant 0 : index
    %get3A_35 = vector.load %arg0[%get3A_33, %get3A_34] : memref<16384x128xi32, #tpu.memory_space<vmem>>, vector<512x128xi32>
    %add3A_36 = arith.addi %add3A_32, %get3A_35 : vector<512x128xi32>
    %get3A_37 = arith.constant 5120 : index
    %get3A_38 = arith.constant 0 : index
    %get3A_39 = vector.load %arg0[%get3A_37, %get3A_38] : memref<16384x128xi32, #tpu.memory_space<vmem>>, vector<512x128xi32>
    %add3A_40 = arith.addi %add3A_36, %get3A_39 : vector<512x128xi32>
    %get3A_41 = arith.constant 5632 : index
    %get3A_42 = arith.constant 0 : index
    %get3A_43 = vector.load %arg0[%get3A_41, %get3A_42] : memref<16384x128xi32, #tpu.memory_space<vmem>>, vector<512x128xi32>
    %add3A_44 = arith.addi %add3A_40, %get3A_43 : vector<512x128xi32>
    %get3A_45 = arith.constant 6144 : index
    %get3A_46 = arith.constant 0 : index
    %get3A_47 = vector.load %arg0[%get3A_45, %get3A_46] : memref<16384x128xi32, #tpu.memory_space<vmem>>, vector<512x128xi32>
    %add3A_48 = arith.addi %add3A_44, %get3A_47 : vector<512x128xi32>
    %get3A_49 = arith.constant 6656 : index
    %get3A_50 = arith.constant 0 : index
    %get3A_51 = vector.load %arg0[%get3A_49, %get3A_50] : memref<16384x128xi32, #tpu.memory_space<vmem>>, vector<512x128xi32>
    %add3A_52 = arith.addi %add3A_48, %get3A_51 : vector<512x128xi32>
    %get3A_53 = arith.constant 7168 : index
    %get3A_54 = arith.constant 0 : index
    %get3A_55 = vector.load %arg0[%get3A_53, %get3A_54] : memref<16384x128xi32, #tpu.memory_space<vmem>>, vector<512x128xi32>
    %add3A_56 = arith.addi %add3A_52, %get3A_55 : vector<512x128xi32>
    %get3A_57 = arith.constant 7680 : index
    %get3A_58 = arith.constant 0 : index
    %get3A_59 = vector.load %arg0[%get3A_57, %get3A_58] : memref<16384x128xi32, #tpu.memory_space<vmem>>, vector<512x128xi32>
    %add3A_60 = arith.addi %add3A_56, %get3A_59 : vector<512x128xi32>
    %get3A_61 = arith.constant 8192 : index
    %get3A_62 = arith.constant 0 : index
    %get3A_63 = vector.load %arg0[%get3A_61, %get3A_62] : memref<16384x128xi32, #tpu.memory_space<vmem>>, vector<512x128xi32>
    %add3A_64 = arith.addi %add3A_60, %get3A_63 : vector<512x128xi32>
    %get3A_65 = arith.constant 8704 : index
    %get3A_66 = arith.constant 0 : index
    %get3A_67 = vector.load %arg0[%get3A_65, %get3A_66] : memref<16384x128xi32, #tpu.memory_space<vmem>>, vector<512x128xi32>
    %add3A_68 = arith.addi %add3A_64, %get3A_67 : vector<512x128xi32>
    %get3A_69 = arith.constant 9216 : index
    %get3A_70 = arith.constant 0 : index
    %get3A_71 = vector.load %arg0[%get3A_69, %get3A_70] : memref<16384x128xi32, #tpu.memory_space<vmem>>, vector<512x128xi32>
    %add3A_72 = arith.addi %add3A_68, %get3A_71 : vector<512x128xi32>
    %get3A_73 = arith.constant 9728 : index
    %get3A_74 = arith.constant 0 : index
    %get3A_75 = vector.load %arg0[%get3A_73, %get3A_74] : memref<16384x128xi32, #tpu.memory_space<vmem>>, vector<512x128xi32>
    %add3A_76 = arith.addi %add3A_72, %get3A_75 : vector<512x128xi32>
    %get3A_77 = arith.constant 10240 : index
    %get3A_78 = arith.constant 0 : index
    %get3A_79 = vector.load %arg0[%get3A_77, %get3A_78] : memref<16384x128xi32, #tpu.memory_space<vmem>>, vector<512x128xi32>
    %add3A_80 = arith.addi %add3A_76, %get3A_79 : vector<512x128xi32>
    %get3A_81 = arith.constant 10752 : index
    %get3A_82 = arith.constant 0 : index
    %get3A_83 = vector.load %arg0[%get3A_81, %get3A_82] : memref<16384x128xi32, #tpu.memory_space<vmem>>, vector<512x128xi32>
    %add3A_84 = arith.addi %add3A_80, %get3A_83 : vector<512x128xi32>
    %get3A_85 = arith.constant 11264 : index
    %get3A_86 = arith.constant 0 : index
    %get3A_87 = vector.load %arg0[%get3A_85, %get3A_86] : memref<16384x128xi32, #tpu.memory_space<vmem>>, vector<512x128xi32>
    %add3A_88 = arith.addi %add3A_84, %get3A_87 : vector<512x128xi32>
    %get3A_89 = arith.constant 11776 : index
    %get3A_90 = arith.constant 0 : index
    %get3A_91 = vector.load %arg0[%get3A_89, %get3A_90] : memref<16384x128xi32, #tpu.memory_space<vmem>>, vector<512x128xi32>
    %add3A_92 = arith.addi %add3A_88, %get3A_91 : vector<512x128xi32>
    %get3A_93 = arith.constant 12288 : index
    %get3A_94 = arith.constant 0 : index
    %get3A_95 = vector.load %arg0[%get3A_93, %get3A_94] : memref<16384x128xi32, #tpu.memory_space<vmem>>, vector<512x128xi32>
    %add3A_96 = arith.addi %add3A_92, %get3A_95 : vector<512x128xi32>
    %get3A_97 = arith.constant 12800 : index
    %get3A_98 = arith.constant 0 : index
    %get3A_99 = vector.load %arg0[%get3A_97, %get3A_98] : memref<16384x128xi32, #tpu.memory_space<vmem>>, vector<512x128xi32>
    %add3A_100 = arith.addi %add3A_96, %get3A_99 : vector<512x128xi32>
    %get3A_101 = arith.constant 13312 : index
    %get3A_102 = arith.constant 0 : index
    %get3A_103 = vector.load %arg0[%get3A_101, %get3A_102] : memref<16384x128xi32, #tpu.memory_space<vmem>>, vector<512x128xi32>
    %add3A_104 = arith.addi %add3A_100, %get3A_103 : vector<512x128xi32>
    %get3A_105 = arith.constant 13824 : index
    %get3A_106 = arith.constant 0 : index
    %get3A_107 = vector.load %arg0[%get3A_105, %get3A_106] : memref<16384x128xi32, #tpu.memory_space<vmem>>, vector<512x128xi32>
    %add3A_108 = arith.addi %add3A_104, %get3A_107 : vector<512x128xi32>
    %get3A_109 = arith.constant 14336 : index
    %get3A_110 = arith.constant 0 : index
    %get3A_111 = vector.load %arg0[%get3A_109, %get3A_110] : memref<16384x128xi32, #tpu.memory_space<vmem>>, vector<512x128xi32>
    %add3A_112 = arith.addi %add3A_108, %get3A_111 : vector<512x128xi32>
    %get3A_113 = arith.constant 14848 : index
    %get3A_114 = arith.constant 0 : index
    %get3A_115 = vector.load %arg0[%get3A_113, %get3A_114] : memref<16384x128xi32, #tpu.memory_space<vmem>>, vector<512x128xi32>
    %add3A_116 = arith.addi %add3A_112, %get3A_115 : vector<512x128xi32>
    %get3A_117 = arith.constant 15360 : index
    %get3A_118 = arith.constant 0 : index
    %get3A_119 = vector.load %arg0[%get3A_117, %get3A_118] : memref<16384x128xi32, #tpu.memory_space<vmem>>, vector<512x128xi32>
    %add3A_120 = arith.addi %add3A_116, %get3A_119 : vector<512x128xi32>
    %get3A_121 = arith.constant 15872 : index
    %get3A_122 = arith.constant 0 : index
    %get3A_123 = vector.load %arg0[%get3A_121, %get3A_122] : memref<16384x128xi32, #tpu.memory_space<vmem>>, vector<512x128xi32>
    %add3A_124 = arith.addi %add3A_120, %get3A_123 : vector<512x128xi32>
    %swap3A = arith.constant 0 : index
    %swap3A_125 = arith.constant 0 : index
    %swap3A_126 = vector.load %arg3[%swap3A, %swap3A_125] : memref<512x128xi32, #tpu.memory_space<vmem>>, vector<512x128xi32>
    tpu.vector_store %arg3[%swap3A, %swap3A_125], %add3A_124 {strides = array<i32>} : memref<512x128xi32, #tpu.memory_space<vmem>>, vector<512x128xi32>,
    %iota3A = tpu.iota {dimensions = array<i32: 0>} : vector<512x128xi32>
    %mul3A = arith.constant 128 : i32
    %mul3A_127 = vector.broadcast %mul3A : i32 to vector<512x128xi32>
    %mul3A_128 = arith.muli %iota3A, %mul3A_127 : vector<512x128xi32>
    %iota3A_129 = tpu.iota {dimensions = array<i32: 1>} : vector<512x128xi32>
    %add3A_130 = arith.addi %mul3A_128, %iota3A_129 : vector<512x128xi32>
    %scan3A = arith.constant 0 : i32
    %scan3A_131 = arith.constant 4095 : i32
    %scan3A_132 = arith.constant 0 : i32
    %scan3A_133 = arith.constant 12 : i32
    %scan3A_134 = arith.addi %scan3A_132, %scan3A_133 : i32
    %scan3A_135 = arith.constant 1 : i32
    %scan3A_136:2 = scf.for %scan3A_156 = %scan3A_132 to %scan3A_134 step %scan3A_135 iter_args(%scan3A_157 = %scan3A, %scan3A_158 = %scan3A_131) -> (i32, i32)  : i32 {
      %sub3A_159 = arith.subi %scan3A_158, %scan3A_157 : i32
      %add3A_160 = arith.constant 1 : i32
      %add3A_161 = arith.addi %sub3A_159, %add3A_160 : i32
      %shift_right_arithmetic3A = arith.constant 1 : i32
      %shift_right_arithmetic3A_162 = arith.shrsi %add3A_161, %shift_right_arithmetic3A : i32
      %add3A_163 = arith.addi %scan3A_157, %shift_right_arithmetic3A_162 : i32
      %mul3A_164 = arith.constant 16 : i32
      %mul3A_165 = arith.muli %add3A_163, %mul3A_164 : i32
      %ge3A = vector.broadcast %mul3A_165 : i32 to vector<512x128xi32>
      %ge3A_166 = arith.cmpi sge, %add3A_130, %ge3A : vector<512x128xi32>
      %get3A_167 = arith.constant 0 : index
      %get3A_168 = arith.constant 0 : index
      %get3A_169 = vector.load %arg3[%get3A_167, %get3A_168] : memref<512x128xi32, #tpu.memory_space<vmem>>, vector<512x128xi32>
      %jit3A = arith.constant 0 : i32
      %broadcast_in_dim3A = vector.broadcast %jit3A : i32 to vector<512x128xi32>
      %select_n3A = arith.select %ge3A_166, %get3A_169, %broadcast_in_dim3A : vector<512x128xi1>, vector<512x128xi32>
      %reduce_sum3A = vector.shape_cast %select_n3A : vector<512x128xi32> to vector<1x512x128xi32>
      %reduce_sum3A_170 = arith.constant dense<0> : vector<1xi32>
      %reduce_sum3A_171 = vector.multi_reduction <add>, %reduce_sum3A, %reduce_sum3A_170 [1, 2] : vector<1x512x128xi32> to vector<1xi32>
      %reduce_sum3A_172 = vector.shape_cast %reduce_sum3A_171 : vector<1xi32> to vector<1x1x1xi32>
      %reduce_sum3A_173 = vector.extract %reduce_sum3A_172[0, 0, 0] : i32 from vector<1x1x1xi32>
      %ge3A_174 = arith.constant 1468006 : i32
      %ge3A_175 = arith.cmpi sge, %reduce_sum3A_173, %ge3A_174 : i32
      %select_n3A_176 = arith.select %ge3A_175, %add3A_163, %scan3A_157 : i32
      %sub3A_177 = arith.constant 1 : i32
      %sub3A_178 = arith.subi %add3A_163, %sub3A_177 : i32
      %select_n3A_179 = arith.select %ge3A_175, %scan3A_158, %sub3A_178 : i32
      scf.yield %select_n3A_176, %select_n3A_179 : i32, i32
    }
    %scan3A_137 = arith.constant 0.000000e+00 : f32
    %scan3A_138 = arith.constant 0 : i32
    %scan3A_139 = arith.constant 0.000000e+00 : f32
    %scan3A_140 = arith.constant 0 : i32
    %scan3A_141 = arith.constant 0 : i32
    %scan3A_142 = arith.constant 16 : i32
    %scan3A_143 = arith.addi %scan3A_141, %scan3A_142 : i32
    %scan3A_144 = arith.constant 1 : i32
    %scan3A_145:4 = scf.for %scan3A_156 = %scan3A_141 to %scan3A_143 step %scan3A_144 iter_args(%scan3A_157 = %scan3A_137, %scan3A_158 = %scan3A_138, %scan3A_159 = %scan3A_139, %scan3A_160 = %scan3A_140) -> (f32, i32, f32, i32)  : i32 {
      %mul3A_161 = arith.constant 1024 : i32
      %mul3A_162 = arith.muli %scan3A_156, %mul3A_161 : i32
      %get3A_163 = arith.index_cast %mul3A_162 : i32 to index
      %get3A_164 = arith.constant 0 : index
      %get3A_165 = vector.load %arg1[%get3A_163, %get3A_164] : memref<16384x128xi32, #tpu.memory_space<vmem>>, vector<1024x128xi32>
      %bitcast_convert_type3A = tpu.bitcast %get3A_165 : vector<1024x128xi32> -> vector<1024x128xf32>
      %shift_right_logical3A = arith.constant 19 : i32
      %shift_right_logical3A_166 = vector.broadcast %shift_right_logical3A : i32 to vector<1024x128xi32>
      %shift_right_logical3A_167 = arith.shrui %get3A_165, %shift_right_logical3A_166 : vector<1024x128xi32>
      %gt3A = vector.broadcast %scan3A_136#0 : i32 to vector<1024x128xi32>
      %gt3A_168 = arith.cmpi sgt, %shift_right_logical3A_167, %gt3A : vector<1024x128xi32>
      %eq3A = vector.broadcast %scan3A_136#0 : i32 to vector<1024x128xi32>
      %eq3A_169 = arith.cmpi eq, %shift_right_logical3A_167, %eq3A : vector<1024x128xi32>
      %jit3A = arith.constant 0.000000e+00 : f32
      %broadcast_in_dim3A = vector.broadcast %jit3A : f32 to vector<1024x128xf32>
      %select_n3A = arith.select %gt3A_168, %bitcast_convert_type3A, %broadcast_in_dim3A : vector<1024x128xi1>, vector<1024x128xf32>
      %reduce_sum3A = vector.shape_cast %select_n3A : vector<1024x128xf32> to vector<1x1024x128xf32>
      %reduce_sum3A_170 = arith.constant dense<0.000000e+00> : vector<1xf32>
      %reduce_sum3A_171 = vector.multi_reduction <add>, %reduce_sum3A, %reduce_sum3A_170 [1, 2] : vector<1x1024x128xf32> to vector<1xf32>
      %reduce_sum3A_172 = vector.shape_cast %reduce_sum3A_171 : vector<1xf32> to vector<1x1x1xf32>
      %reduce_sum3A_173 = vector.extract %reduce_sum3A_172[0, 0, 0] : f32 from vector<1x1x1xf32>
      %add3A_174 = arith.addf %scan3A_157, %reduce_sum3A_173 : f32
      %convert_element_type3A_175 = arith.extui %gt3A_168 : vector<1024x128xi1> to vector<1024x128xi32>
      %reduce_sum3A_176 = vector.shape_cast %convert_element_type3A_175 : vector<1024x128xi32> to vector<1x1024x128xi32>
      %reduce_sum3A_177 = arith.constant dense<0> : vector<1xi32>
      %reduce_sum3A_178 = vector.multi_reduction <add>, %reduce_sum3A_176, %reduce_sum3A_177 [1, 2] : vector<1x1024x128xi32> to vector<1xi32>
      %reduce_sum3A_179 = vector.shape_cast %reduce_sum3A_178 : vector<1xi32> to vector<1x1x1xi32>
      %reduce_sum3A_180 = vector.extract %reduce_sum3A_179[0, 0, 0] : i32 from vector<1x1x1xi32>
      %add3A_181 = arith.addi %scan3A_158, %reduce_sum3A_180 : i32
      %jit3A_182 = arith.constant 0.000000e+00 : f32
      %broadcast_in_dim3A_183 = vector.broadcast %jit3A_182 : f32 to vector<1024x128xf32>
      %select_n3A_184 = arith.select %eq3A_169, %bitcast_convert_type3A, %broadcast_in_dim3A_183 : vector<1024x128xi1>, vector<1024x128xf32>
      %reduce_sum3A_185 = vector.shape_cast %select_n3A_184 : vector<1024x128xf32> to vector<1x1024x128xf32>
      %reduce_sum3A_186 = arith.constant dense<0.000000e+00> : vector<1xf32>
      %reduce_sum3A_187 = vector.multi_reduction <add>, %reduce_sum3A_185, %reduce_sum3A_186 [1, 2] : vector<1x1024x128xf32> to vector<1xf32>
      %reduce_sum3A_188 = vector.shape_cast %reduce_sum3A_187 : vector<1xf32> to vector<1x1x1xf32>
      %reduce_sum3A_189 = vector.extract %reduce_sum3A_188[0, 0, 0] : f32 from vector<1x1x1xf32>
      %add3A_190 = arith.addf %scan3A_159, %reduce_sum3A_189 : f32
      %convert_element_type3A_191 = arith.extui %eq3A_169 : vector<1024x128xi1> to vector<1024x128xi32>
      %reduce_sum3A_192 = vector.shape_cast %convert_element_type3A_191 : vector<1024x128xi32> to vector<1x1024x128xi32>
      %reduce_sum3A_193 = arith.constant dense<0> : vector<1xi32>
      %reduce_sum3A_194 = vector.multi_reduction <add>, %reduce_sum3A_192, %reduce_sum3A_193 [1, 2] : vector<1x1024x128xi32> to vector<1xi32>
      %reduce_sum3A_195 = vector.shape_cast %reduce_sum3A_194 : vector<1xi32> to vector<1x1x1xi32>
      %reduce_sum3A_196 = vector.extract %reduce_sum3A_195[0, 0, 0] : i32 from vector<1x1x1xi32>
      %add3A_197 = arith.addi %scan3A_160, %reduce_sum3A_196 : i32
      scf.yield %add3A_174, %add3A_181, %add3A_190, %add3A_197 : f32, i32, f32, i32
    }
    %scan3A_146 = arith.constant 16 : i32
    %sub3A = arith.constant 1468006 : i32
    %sub3A_147 = arith.subi %sub3A, %scan3A_145#1 : i32
    %convert_element_type3A = arith.sitofp %sub3A_147 : i32 to f32
    %convert_element_type3A_148 = arith.sitofp %scan3A_145#3 : i32 to f32
    %div3A = arith.divf %scan3A_145#2, %convert_element_type3A_148 : f32
    %mul3A_149 = arith.mulf %convert_element_type3A, %div3A : f32
    %add3A_150 = arith.addf %scan3A_145#0, %mul3A_149 : f32
    %div3A_151 = arith.constant 0x49B33330 : f32
    %div3A_152 = arith.divf %add3A_150, %div3A_151 : f32
    %reshape3A = vector.broadcast %div3A_152 : f32 to vector<1x1xf32>
    %swap3A_153 = arith.constant 0 : index
    %swap3A_154 = arith.constant 0 : index
    %swap3A_155 = vector.load %arg2[%swap3A_153, %swap3A_154] : memref<1x1xf32, #tpu.memory_space<vmem>>, vector<1x1xf32>
    tpu.vector_store %arg2[%swap3A_153, %swap3A_154], %reshape3A {strides = array<i32>} : memref<1x1xf32, #tpu.memory_space<vmem>>, vector<1x1xf32>,
    return
  }
}

</mosaic_0001>

<sc_bundles>
// kernel: kernel.5.cloned.1.call-start
scs
__scs_entry_jumppad:
0x0: {  	(pc) =	sbr.rel $0x88, $3  }
0x1: {  	(tag) =	ssettag $0x0;
	lr =	simm.s32 $0x1  }
0x2: {  	[smem:$0x3F9F] =	sst lr;
	_ =	strace $0xD0000000  }
0x3: {  	_ = 	snop  }
0x4: {  	_ = 	snop  }
0x5: {  	_ = 	snop  }
0x6: {  	_ = 	snop  }
0x7: {  	_ = 	snop  }
__scs_overlays_trampoline_lowered:
0x8: {  	[smem:$0x3FAE] =	sst s0  }
0x9: {  	[smem:$0x3FAF] =	sst s1  }
0xa: {  	[smem:$0x3FB0] =	sst s2  }
0xb: {  	[smem:$0x3FB1] =	sst s3  }
0xc: {  	[smem:$0x3FB2] =	sst s4  }
0xd: {  	[smem:$0x3FB3] =	sst s5  }
0xe: {  	[smem:$0x3FB4] =	sst s6  }
0xf: {  	[smem:$0x3FB5] =	sst s7  }
0x10: {  	[smem:$0x3FB6] =	sst s8  }
0x11: {  	[smem:$0x3FB7] =	sst s9;
	s0 =	simm.s32 @!p0 $0x0  }
0x12: {  	s1 =	sld [smem:$0x3F9D];
	s0 =	simm.s32 @p0 $0x1  }
0x13: {  	[smem:$0x3FB8] =	sst s0;
	s0 =	simm.s32 @!p1 $0x0  }
0x14: {  	s2 =	sld [smem:$0x3F9C];
	s0 =	simm.s32 @p1 $0x1  }
0x15: {  	[smem:$0x3FB9] =	sst s0;
	s0 =	simm.s32 @!p2 $0x0  }
0x16: {  	s3 =	sld [smem:$0x3FDB];
	s0 =	simm.s32 @p2 $0x1  }
0x17: {  	s4 =	simm.s32 $0x1BF5;
	[smem:$0x3FBB] =	sst s0  }
0x18: {  	s0 =	sld [smem:$0x3F9E];
	_ =	swait.ge [sflag:s4], $0x0  }
0x19: {  	s7 =	sld [smem:$0x3F9F]  }
0x1a: {  	s8 =	sadd.s32 $0xFFFFE003, lr  }
0x1b: {  	s9 =	sadd.s32 $0xFFFFFEF7, lr;
	s5 =	simm.s32 $0xFFFFFFFF;
	p2 =	slt.u32 s8, $0xFFFFF086  }
0x1c: {  	p1 =	slt.u32 s9, $0xF7A;
	s5 =	simm.s32 @!p2 $0x0  }
0x1d: {  	s5 =	simm.s32 @p1 $0x1;
	p0 =	seq.s32 s7, s2  }
0x1e: {  	s7 =	smul.u32 @!p0 $0xF7A, s2;
	p2 =	seq.s32 @!p0 s5, $0x0  }
0x1f: {  	s9 =	smul.u32 $0xF7A, s1;
	s8 =	simm.s32 @!p0 $0x1BF5;
	p2 =	por !p2, p0  }
0x20: {  	[sflag:s8] =	ssyncset.s32 @!p0 $0xFFFFF086;
	s6 =	sadd.s32 @!p0 s3, s7;
	s7 =	simm.s32 @!p0 $0x108  }
0x21: {  	s3 =	sadd.s32 s3, s9;
	s6 =	sadd.s32 @!p0 $0x88, s6;
	s7 =	simm.s32 @p2 $0x1082  }
0x22: {  	[simem:s7], [sflag:s8] =	dma.local @!p0 [hbm:s6], $0xF7A  }
0x23: {  	s9 =	sor.u32 $0xD0000000, s2;
	s6 =	simm.s32 $0x108;
	_ =	swait.ge @!p0 [sflag:s8], $0x0  }
0x24: {  	s3 =	sadd.s32 $0x88, s3;
	s6 =	simm.s32 @!p1 $0x1082;
	[sflag:s4] =	ssyncset.s32 $0xFFFFF086  }
0x25: {  	[simem:s6], [sflag:s4] =	dma.local [hbm:s3], $0xF7A  }
0x26: {  	[smem:$0x3F9F] =	sst s1;
	(tag) =	ssettag s2;
	_ =	strace s9  }
0x27: {  	s1 =	sld [smem:$0x3FAF]  }
0x28: {  	s2 =	sld [smem:$0x3FB0]  }
0x29: {  	s4 =	sld [smem:$0x3FB2]  }
0x2a: {  	p0 =	seq.s32 s5, $0x0;
	s5 =	sld [smem:$0x3FB3]  }
0x2b: {  	s6 =	sld [smem:$0x3FB4]  }
0x2c: {  	s7 =	sld [smem:$0x3FB5]  }
0x2d: {  	s3 =	simm.s32 $0x108;
	s8 =	sld [smem:$0x3FB6]  }
0x2e: {  	s3 =	simm.s32 @!p0 $0x1082;
	s9 =	sld [smem:$0x3FB7]  }
0x2f: {  	lr =	sadd.s32 s0, s3;
	s0 =	sld [smem:$0x3FAE]  }
0x30: {  	s3 =	sld [smem:$0x3FB1]  }
0x31: {  	[smem:$0x3FBA] =	sst s10  }
0x32: {  	s10 =	sld [smem:$0x3FB8];
	_ =	sdelay $0x3  }
0x33: {  	p0 =	seq.s32 s10, $0x1;
	s10 =	sld [smem:$0x3FBA];
	_ =	sdelay $0x3  }
0x34: {  	[smem:$0x3FBA] =	sst s10  }
0x35: {  	s10 =	sld [smem:$0x3FB9];
	_ =	sdelay $0x3  }
0x36: {  	p1 =	seq.s32 s10, $0x1;
	s10 =	sld [smem:$0x3FBA];
	_ =	sdelay $0x3  }
0x37: {  	[smem:$0x3FBA] =	sst s10  }
0x38: {  	s10 =	sld [smem:$0x3FBB]  }
0x39: {  	_ = 	snop;
	(pc) =	sbr.ind lr, $3  }
0x3a: {  	_ = 	snop  }
0x3b: {  	_ = 	snop  }
0x3c: {  	p2 =	seq.s32 s10, $0x1;
	s10 =	sld [smem:$0x3FBA]  }
0x3d: {  	_ =	shalt  }
0x3e: {  	_ =	shalt  }
0x3f: {  	_ =	shalt  }
0x40: {  	_ =	shalt  }
0x41: {  	_ =	shalt  }
0x42: {  	_ =	shalt  }
0x43: {  	_ =	shalt  }
0x44: {  	_ =	shalt  }
0x45: {  	_ =	shalt  }
0x46: {  	_ =	shalt  }
0x47: {  	_ =	shalt  }
0x48: {  	_ =	shalt  }
0x49: {  	_ =	shalt  }
0x4a: {  	_ =	shalt  }
0x4b: {  	_ =	shalt  }
0x4c: {  	_ =	shalt  }
0x4d: {  	_ =	shalt  }
0x4e: {  	_ =	shalt  }
0x4f: {  	_ =	shalt  }
0x50: {  	_ =	shalt  }
0x51: {  	_ =	shalt  }
0x52: {  	_ =	shalt  }
0x53: {  	_ =	shalt  }
0x54: {  	_ =	shalt  }
0x55: {  	_ =	shalt  }
0x56: {  	_ =	shalt  }
0x57: {  	_ =	shalt  }
0x58: {  	_ =	shalt  }
0x59: {  	_ =	shalt  }
0x5a: {  	_ =	shalt  }
0x5b: {  	_ =	shalt  }
0x5c: {  	_ =	shalt  }
0x5d: {  	_ =	shalt  }
0x5e: {  	_ =	shalt  }
0x5f: {  	_ =	shalt  }
0x60: {  	_ =	shalt  }
0x61: {  	_ =	shalt  }
0x62: {  	_ =	shalt  }
0x63: {  	_ =	shalt  }
0x64: {  	_ =	shalt  }
0x65: {  	_ =	shalt  }
0x66: {  	_ =	shalt  }
0x67: {  	_ =	shalt  }
0x68: {  	_ =	shalt  }
0x69: {  	_ =	shalt  }
0x6a: {  	_ =	shalt  }
0x6b: {  	_ =	shalt  }
0x6c: {  	_ =	shalt  }
0x6d: {  	_ =	shalt  }
0x6e: {  	_ =	shalt  }
0x6f: {  	_ =	shalt  }
0x70: {  	_ =	shalt  }
0x71: {  	_ =	shalt  }
0x72: {  	_ =	shalt  }
0x73: {  	_ =	shalt  }
0x74: {  	_ =	shalt  }
0x75: {  	_ =	shalt  }
0x76: {  	_ =	shalt  }
0x77: {  	_ =	shalt  }
0x78: {  	_ =	shalt  }
0x79: {  	_ =	shalt  }
0x7a: {  	_ =	shalt  }
0x7b: {  	_ =	shalt  }
0x7c: {  	_ =	shalt  }
0x7d: {  	_ =	shalt  }
0x7e: {  	_ =	shalt  }
0x7f: {  	_ =	shalt  }
0x80: {  	_ =	shalt  }
0x81: {  	_ =	shalt  }
0x82: {  	_ =	shalt  }
0x83: {  	_ =	shalt  }
0x84: {  	_ =	shalt  }
0x85: {  	_ =	shalt  }
0x86: {  	_ =	shalt  }
0x87: {  	_ =	shalt  }
.Lfunc_end0:
.L_simem_size_0:
called_computation_lowered:
.L_overlay_start_0:
0x88: {  	s2 =	sld [smem:$0x3FD9]  }
0x89: {  	s3 =	sld [smem:$0x3FFE];
	_ =	sdelay $0x1  }
0x8a: {  	s1 =	srdreg.scid  }
0x8b: {  	s0 =	sand.u32 $0x1, s1  }
0x8c: {  	s16 =	sshll.u32 s0, $0xA;
	s2 =	sadd.s32 s3, s2  }
0x8d: {  	s2 =	sadd.s32 s2, s16  }
0x8e: {  	[smem:$0x3FC6] =	sst s2  }
0x8f: {  	_ = 	snop  }
0x90: {  	(tm) =	ssettm $0x1  }
0x91: {  	s17 =	sld [smem:$0x3FFB];
	_ =	sdelay $0x3  }
0x92: {  	_ =	strace s17  }
0x93: {  	s2 =	sld [smem:$0x3FFC];
	_ =	sdelay $0x3  }
0x94: {  	_ =	strace s2  }
0x95: {  	s2 =	sld [smem:$0x3FFD];
	_ =	sdelay $0x3  }
0x96: {  	_ =	strace s2  }
0x97: {  	_ =	strace $0x8FFFFFFF  }
0x98: {  	s18 =	sld [smem:$0x3FDB];
	_ =	sdelay $0x1  }
0x99: {  	s19 =	simm.s32 $_scs_section_size  }
0x9a: {  	s4 =	simm.s32 $_size__tile_overlayer_lowered;
	s5 =	simm.s32 $_tile_overlayer_lowered  }
0x9b: {  	s22 =	simm.s32 $0x1BFF;
	s21 =	sshll.u32 s5, $0x1;
	s2 =	sadd.s32 s19, s18  }
0x9c: {  	s6 =	simm.s32 $0x0;
	s20 =	sshll.u32 s4, $0x1;
	s4 =	sadd.s32 s21, s2  }
0x9d: {  	[timem:s6], [sflag:s22] =	dma.local [hbm:s4], s20  }
0x9e: {  	_ =	swait.ge [sflag:s22], s20  }
0x9f: {  	s3 =	ssub.s32 $0x0, s20;
	[sflag:s22] =	ssyncset.done $0x0  }
0xa0: {  	[sflag:s22] =	ssyncadd.s32 s3;
	_ =	sdelay $0x1  }
0xa1: {  	s23 =	simm.s32 $0x1B8B  }
0xa2: {  	_ =	swait.ge [sflag:s23], $0x1  }
0xa3: {  	[sflag:s23] =	ssyncset.done $0x0  }
0xa4: {  	s25 =	simm.s32 $0x1B8E;
	s24 =	sld [smem:$0x3FFE];
	[sflag:s23] =	ssyncadd.s32 $0xFFFFFFFF  }
0xa5: {  	s26 =	simm.s32 $execute0_lowered;
	[smem:$0x3FD2] =	sst s25  }
0xa6: {  	s4 =	sshll.u32 s26, $0x1;
	_ =	strace $0x80000046;
	[dreg:$0x1] =	wrdreg $0xFFFFFFFF  }
0xa7: {  	s28 =	simm.s32 $_size_execute0_lowered;
	s2 =	sadd.s32 s2, s4;
	[dreg:$0x0] =	wrdreg $0x0  }
0xa8: {  	s4 =	sshll.u32 s28, $0x1;
	[dreg:$0x2] =	wrdreg s2  }
0xa9: {  	[dreg:$0x3] =	wrdreg s4  }
0xaa: {  	[dreg:$0x4] =	wrdreg $0xC0  }
0xab: {  	_ =	task [dreg:s6], $0x5FFFF  }
0xac: {  	[dreg:$0x1] =	wrdreg $0xFFFFFFFF  }
0xad: {  	[dreg:$0x0] =	wrdreg $0x60  }
0xae: {  	[dreg:$0x2] =	wrdreg s24  }
0xaf: {  	[dreg:$0x3] =	wrdreg $0x9  }
0xb0: {  	_ =	task.clear_ibuf [dreg:s6], $0x4FFFF;
	_ =	strace $0x90000046  }
0xb1: {  	s29 =	simm.s32 $0x9;
	_ =	strace $0x80000048  }
0xb2: {  	_ =	swait.ge [sflag:s29], $0x1  }
0xb3: {  	[sflag:s29] =	ssyncadd.s32 $0xFFFFFFFF  }
0xb4: {  	_ =	strace $0x90000048  }
0xb5: {  	_ =	sfence  }
0xb6: {  	s30 =	sld [smem:$0x0];
	_ =	sdelay $0x2  }
0xb7: {  	s31 =	sshll.u32 s1, $0xD;
	s1 =	sshrl.u32 s1, $0x2  }
0xb8: {  	s3 =	sand.u32 $0x4000, s31;
	s1 =	sadd.s32 s1, s30  }
0xb9: {  	s0 =	sor.u32 s3, s0;
	s1 =	sshll.u32 s1, $0x11  }
0xba: {  	s0 =	sor.u32 s1, s0  }
0xbb: {  	s0 =	sadd.s32 $0x8F2B, s0  }
0xbc: {  	[sflag:s0] =	ssyncadd.remote.s32 $0x1  }
0xbd: {  	_ =	sfence.sel $0xFFFF  }
0xbe: {  	[dreg:$0x0] =	wrdreg $0xFFFFFFFF;
	(pc) =	sbr.abs _section_cstart, $3  }
0xbf: {  	[dreg:$0x1] =	wrdreg $0xFFFFFFFF  }
0xc0: {  	_ =	task.clear_ibuf [dreg:s6], $0x2FFFF;
	_ =	strace $0x9FFFFFFF  }
0xc1: {  	(tm) =	ssettm $0x7FFFFFFF  }
tec
execute0_lowered:
.L_overlay_start_1:
0x0: {  	(tag) =	ssettag $0x1  }
0x1: {  	s3 =	rddreg [dreg:$0x0]  }
0x2: {  	s0 =	rddreg [dreg:$0x1]  }
0x3: {  	s2 =	simm.s32 $0x0;
	s4 =	srdreg.scid;
	s1 =	stileid.u32  }
0x4: {  	s14 =	simm.s32 $0x2000;
	s15 =	simm.s32 $0x80;
	s16 =	simm.s32 $0x400  }
0x5: {  	[smem:$0x7FF] =	sst s2;
	s4 =	sand.u32 $0x1, s4;
	s5 =	sshll.u32 s1, $0x1  }
0x6: {  	s30 =	sshll.u32 s1, $0xE;
	_ =	strace $0x80000047;
	s7 =	sor.u32 s4, s5  }
0x7: {  	s5 =	sand.u32 $0x30000, s30;
	s4 =	ssub.s32 $0x2, s4;
	s6 =	sshll.u32 s7, $0xD  }
0x8: {  	s11 =	sadd.s32 s5, s3;
	s31 =	sshrl.u32 s4, $0x1;
	s9 =	sshll.u32 s7, $0x4  }
0x9: {  	s10 =	sadd.s32 s6, s3;
	s12 =	ssub.s32 s4, s31;
	s13 =	sand.u32 $0x70, s9  }
0xa: {  	s3 =	sadd.s32 $0x1000, s10;
	s4 =	sadd.s32 $0x1400, s10;
	s5 =	sadd.s32 $0x1800, s10  }
0xb: {  	s6 =	sadd.s32 $0x1C00, s10;
	s7 =	sadd.s32 $0x2000, s10;
	s8 =	sadd.s32 $0x2400, s10  }
0xc: {  	s9 =	sadd.s32 $0x2800, s10;
	s10 =	sadd.s32 $0x2C00, s10;
	s11 =	sadd.s32 s13, s11  }
0xd: {  	v0 =	vimm.s32 $0x0;
	v1 =	vlaneseq.u32;
	v2 =	vimm.s32 $0x1;
	s12 =	smax.u32 s12, $0x1;
	s13 =	simm.s32 $0x1;
	s11 =	sadd.s32 $0x41000, s11  }
.LBB2_1:
0xe: {  	s17 =	simm.s32 $0x40;
	s18 =	simm.s32 $0x0  }
.LBB2_2:
0xf: {  	p0 =	sne.s32 s17, $0x3FFC0;
	[tilespmem:s18+$0x2000] =	vst v0;
	s18 =	smov.u32 s17;
	s17 =	sadd.s32 $0x40, s17  }
.Ltmp0:
0x10: {  	(pc) =	sbr.rel @p0 .LBB2_2-.Ltmp0, $2  }
0x11: {  	_ =	sdelay $0x2  }
0x12: {  	s18 =	sshra.s32 s18, $0x2  }
0x13: {  	[tilespmem:s18+$0x2000] =	vst v0;
	s17 =	simm.s32 $0x0  }
0x14: {  	[tilespmem:s17], [sflag:$0x1] =	stream.linear.gather [hbm4b:s3+s17], $0x2000, $0x38;
	[tilespmem:$0x12000] =	vst v63  }
0x15: {  	_ =	swait.ge [sflag:s13], $0x2000  }
0x16: {  	[sflag:s13] =	ssyncset.done $0x0  }
0x17: {  	s18 =	simm.s32 $0x0;
	s17 =	simm.s32 $0x40;
	[sflag:s13] =	ssyncadd.s32 $0xFFFFE000  }
.LBB2_4:
0x18: {  	p0 =	sne.s32 s17, $0x7FC0;
	v3 =	vld [tilespmem:s18+$0x0];
	_ =	sdelay $0x4  }
0x19: {  	v3 =	vshrl.u32 v3, $0xF  }
0x1a: {  	v3 =	vand.u32 $0x1FFF0, v3  }
0x1b: {  	v3 =	vor.u32 v1, v3  }
.Ltmp1:
0x1c: {  	(pc) =	sbr.rel @p0 .LBB2_4-.Ltmp1, $2  }
0x1d: {  	_ =	sdelay $0x2  }
0x1e: {  	s18 =	sshra.s32 s17, $0x2;
	s17 =	sadd.s32 $0x40, s17;
	[tilespmem:v3+s14+$0x0] =	vst.idx.add.s32.msk $0xffff, v2  }
0x1f: {  	v3 =	vld [tilespmem:s18+$0x0];
	_ =	sdelay $0x4  }
0x20: {  	v3 =	vshrl.u32 v3, $0xF  }
0x21: {  	v3 =	vand.u32 $0x1FFF0, v3  }
0x22: {  	v3 =	vor.u32 v1, v3;
	_ =	sdelay $0x4  }
0x23: {  	s17 =	simm.s32 $0x0;
	[tilespmem:v3+s14+$0x0] =	vst.idx.add.s32.msk $0xffff, v2  }
0x24: {  	[tilespmem:s17], [sflag:$0x1] =	stream.linear.gather [hbm4b:s4+s17], $0x2000, $0x38;
	[tilespmem:$0x12000] =	vst v63  }
0x25: {  	_ =	swait.ge [sflag:s13], $0x2000  }
0x26: {  	[sflag:s13] =	ssyncset.done $0x0  }
0x27: {  	s18 =	simm.s32 $0x0;
	s17 =	simm.s32 $0x40;
	[sflag:s13] =	ssyncadd.s32 $0xFFFFE000  }
.LBB2_6:
0x28: {  	p0 =	sne.s32 s17, $0x7FC0;
	v3 =	vld [tilespmem:s18+$0x0];
	_ =	sdelay $0x4  }
0x29: {  	v3 =	vshrl.u32 v3, $0xF  }
0x2a: {  	v3 =	vand.u32 $0x1FFF0, v3  }
0x2b: {  	v3 =	vor.u32 v1, v3  }
.Ltmp2:
0x2c: {  	(pc) =	sbr.rel @p0 .LBB2_6-.Ltmp2, $2  }
0x2d: {  	_ =	sdelay $0x2  }
0x2e: {  	s18 =	sshra.s32 s17, $0x2;
	s17 =	sadd.s32 $0x40, s17;
	[tilespmem:v3+s14+$0x0] =	vst.idx.add.s32.msk $0xffff, v2  }
0x2f: {  	v3 =	vld [tilespmem:s18+$0x0];
	_ =	sdelay $0x4  }
0x30: {  	v3 =	vshrl.u32 v3, $0xF  }
0x31: {  	v3 =	vand.u32 $0x1FFF0, v3  }
0x32: {  	v3 =	vor.u32 v1, v3;
	_ =	sdelay $0x4  }
0x33: {  	s17 =	simm.s32 $0x0;
	[tilespmem:v3+s14+$0x0] =	vst.idx.add.s32.msk $0xffff, v2  }
0x34: {  	[tilespmem:s17], [sflag:$0x1] =	stream.linear.gather [hbm4b:s5+s17], $0x2000, $0x38;
	[tilespmem:$0x12000] =	vst v63  }
0x35: {  	_ =	swait.ge [sflag:s13], $0x2000  }
0x36: {  	[sflag:s13] =	ssyncset.done $0x0  }
0x37: {  	s18 =	simm.s32 $0x0;
	s17 =	simm.s32 $0x40;
	[sflag:s13] =	ssyncadd.s32 $0xFFFFE000  }
.LBB2_8:
0x38: {  	p0 =	sne.s32 s17, $0x7FC0;
	v3 =	vld [tilespmem:s18+$0x0];
	_ =	sdelay $0x4  }
0x39: {  	v3 =	vshrl.u32 v3, $0xF  }
0x3a: {  	v3 =	vand.u32 $0x1FFF0, v3  }
0x3b: {  	v3 =	vor.u32 v1, v3  }
.Ltmp3:
0x3c: {  	(pc) =	sbr.rel @p0 .LBB2_8-.Ltmp3, $2  }
0x3d: {  	_ =	sdelay $0x2  }
0x3e: {  	s18 =	sshra.s32 s17, $0x2;
	s17 =	sadd.s32 $0x40, s17;
	[tilespmem:v3+s14+$0x0] =	vst.idx.add.s32.msk $0xffff, v2  }
0x3f: {  	v3 =	vld [tilespmem:s18+$0x0];
	_ =	sdelay $0x4  }
0x40: {  	v3 =	vshrl.u32 v3, $0xF  }
0x41: {  	v3 =	vand.u32 $0x1FFF0, v3  }
0x42: {  	v3 =	vor.u32 v1, v3;
	_ =	sdelay $0x4  }
0x43: {  	s17 =	simm.s32 $0x0;
	[tilespmem:v3+s14+$0x0] =	vst.idx.add.s32.msk $0xffff, v2  }
0x44: {  	[tilespmem:s17], [sflag:$0x1] =	stream.linear.gather [hbm4b:s6+s17], $0x2000, $0x38;
	[tilespmem:$0x12000] =	vst v63  }
0x45: {  	_ =	swait.ge [sflag:s13], $0x2000  }
0x46: {  	[sflag:s13] =	ssyncset.done $0x0  }
0x47: {  	s18 =	simm.s32 $0x0;
	s17 =	simm.s32 $0x40;
	[sflag:s13] =	ssyncadd.s32 $0xFFFFE000  }
.LBB2_10:
0x48: {  	p0 =	sne.s32 s17, $0x7FC0;
	v3 =	vld [tilespmem:s18+$0x0];
	_ =	sdelay $0x4  }
0x49: {  	v3 =	vshrl.u32 v3, $0xF  }
0x4a: {  	v3 =	vand.u32 $0x1FFF0, v3  }
0x4b: {  	v3 =	vor.u32 v1, v3  }
.Ltmp4:
0x4c: {  	(pc) =	sbr.rel @p0 .LBB2_10-.Ltmp4, $2  }
0x4d: {  	_ =	sdelay $0x2  }
0x4e: {  	s18 =	sshra.s32 s17, $0x2;
	s17 =	sadd.s32 $0x40, s17;
	[tilespmem:v3+s14+$0x0] =	vst.idx.add.s32.msk $0xffff, v2  }
0x4f: {  	v3 =	vld [tilespmem:s18+$0x0];
	_ =	sdelay $0x4  }
0x50: {  	v3 =	vshrl.u32 v3, $0xF  }
0x51: {  	v3 =	vand.u32 $0x1FFF0, v3  }
0x52: {  	v3 =	vor.u32 v1, v3;
	_ =	sdelay $0x4  }
0x53: {  	s17 =	simm.s32 $0x0;
	[tilespmem:v3+s14+$0x0] =	vst.idx.add.s32.msk $0xffff, v2  }
0x54: {  	[tilespmem:s17], [sflag:$0x1] =	stream.linear.gather [hbm4b:s7+s17], $0x2000, $0x38;
	[tilespmem:$0x12000] =	vst v63  }
0x55: {  	_ =	swait.ge [sflag:s13], $0x2000  }
0x56: {  	[sflag:s13] =	ssyncset.done $0x0  }
0x57: {  	s18 =	simm.s32 $0x0;
	s17 =	simm.s32 $0x40;
	[sflag:s13] =	ssyncadd.s32 $0xFFFFE000  }
.LBB2_12:
0x58: {  	p0 =	sne.s32 s17, $0x7FC0;
	v3 =	vld [tilespmem:s18+$0x0];
	_ =	sdelay $0x4  }
0x59: {  	v3 =	vshrl.u32 v3, $0xF  }
0x5a: {  	v3 =	vand.u32 $0x1FFF0, v3  }
0x5b: {  	v3 =	vor.u32 v1, v3  }
.Ltmp5:
0x5c: {  	(pc) =	sbr.rel @p0 .LBB2_12-.Ltmp5, $2  }
0x5d: {  	_ =	sdelay $0x2  }
0x5e: {  	s18 =	sshra.s32 s17, $0x2;
	s17 =	sadd.s32 $0x40, s17;
	[tilespmem:v3+s14+$0x0] =	vst.idx.add.s32.msk $0xffff, v2  }
0x5f: {  	v3 =	vld [tilespmem:s18+$0x0];
	_ =	sdelay $0x4  }
0x60: {  	v3 =	vshrl.u32 v3, $0xF  }
0x61: {  	v3 =	vand.u32 $0x1FFF0, v3  }
0x62: {  	v3 =	vor.u32 v1, v3;
	_ =	sdelay $0x4  }
0x63: {  	s17 =	simm.s32 $0x0;
	[tilespmem:v3+s14+$0x0] =	vst.idx.add.s32.msk $0xffff, v2  }
0x64: {  	[tilespmem:s17], [sflag:$0x1] =	stream.linear.gather [hbm4b:s8+s17], $0x2000, $0x38;
	[tilespmem:$0x12000] =	vst v63  }
0x65: {  	_ =	swait.ge [sflag:s13], $0x2000  }
0x66: {  	[sflag:s13] =	ssyncset.done $0x0  }
0x67: {  	s18 =	simm.s32 $0x0;
	s17 =	simm.s32 $0x40;
	[sflag:s13] =	ssyncadd.s32 $0xFFFFE000  }
.LBB2_14:
0x68: {  	p0 =	sne.s32 s17, $0x7FC0;
	v3 =	vld [tilespmem:s18+$0x0];
	_ =	sdelay $0x4  }
0x69: {  	v3 =	vshrl.u32 v3, $0xF  }
0x6a: {  	v3 =	vand.u32 $0x1FFF0, v3  }
0x6b: {  	v3 =	vor.u32 v1, v3  }
.Ltmp6:
0x6c: {  	(pc) =	sbr.rel @p0 .LBB2_14-.Ltmp6, $2  }
0x6d: {  	_ =	sdelay $0x2  }
0x6e: {  	s18 =	sshra.s32 s17, $0x2;
	s17 =	sadd.s32 $0x40, s17;
	[tilespmem:v3+s14+$0x0] =	vst.idx.add.s32.msk $0xffff, v2  }
0x6f: {  	v3 =	vld [tilespmem:s18+$0x0];
	_ =	sdelay $0x4  }
0x70: {  	v3 =	vshrl.u32 v3, $0xF  }
0x71: {  	v3 =	vand.u32 $0x1FFF0, v3  }
0x72: {  	v3 =	vor.u32 v1, v3;
	_ =	sdelay $0x4  }
0x73: {  	s17 =	simm.s32 $0x0;
	[tilespmem:v3+s14+$0x0] =	vst.idx.add.s32.msk $0xffff, v2  }
0x74: {  	[tilespmem:s17], [sflag:$0x1] =	stream.linear.gather [hbm4b:s9+s17], $0x2000, $0x38;
	[tilespmem:$0x12000] =	vst v63  }
0x75: {  	_ =	swait.ge [sflag:s13], $0x2000  }
0x76: {  	[sflag:s13] =	ssyncset.done $0x0  }
0x77: {  	s18 =	simm.s32 $0x0;
	s17 =	simm.s32 $0x40;
	[sflag:s13] =	ssyncadd.s32 $0xFFFFE000  }
.LBB2_16:
0x78: {  	p0 =	sne.s32 s17, $0x7FC0;
	v3 =	vld [tilespmem:s18+$0x0];
	_ =	sdelay $0x4  }
0x79: {  	v3 =	vshrl.u32 v3, $0xF  }
0x7a: {  	v3 =	vand.u32 $0x1FFF0, v3  }
0x7b: {  	v3 =	vor.u32 v1, v3  }
.Ltmp7:
0x7c: {  	(pc) =	sbr.rel @p0 .LBB2_16-.Ltmp7, $2  }
0x7d: {  	_ =	sdelay $0x2  }
0x7e: {  	s18 =	sshra.s32 s17, $0x2;
	s17 =	sadd.s32 $0x40, s17;
	[tilespmem:v3+s14+$0x0] =	vst.idx.add.s32.msk $0xffff, v2  }
0x7f: {  	v3 =	vld [tilespmem:s18+$0x0];
	_ =	sdelay $0x4  }
0x80: {  	v3 =	vshrl.u32 v3, $0xF  }
0x81: {  	v3 =	vand.u32 $0x1FFF0, v3  }
0x82: {  	v3 =	vor.u32 v1, v3;
	_ =	sdelay $0x4  }
0x83: {  	s17 =	simm.s32 $0x0;
	[tilespmem:v3+s14+$0x0] =	vst.idx.add.s32.msk $0xffff, v2  }
0x84: {  	[tilespmem:s17], [sflag:$0x1] =	stream.linear.gather [hbm4b:s10+s17], $0x2000, $0x38;
	[tilespmem:$0x12000] =	vst v63  }
0x85: {  	_ =	swait.ge [sflag:s13], $0x2000  }
0x86: {  	[sflag:s13] =	ssyncset.done $0x0  }
0x87: {  	s18 =	simm.s32 $0x0;
	s17 =	simm.s32 $0x40;
	[sflag:s13] =	ssyncadd.s32 $0xFFFFE000  }
.LBB2_18:
0x88: {  	p0 =	sne.s32 s17, $0x7FC0;
	v3 =	vld [tilespmem:s18+$0x0];
	_ =	sdelay $0x4  }
0x89: {  	v3 =	vshrl.u32 v3, $0xF  }
0x8a: {  	v3 =	vand.u32 $0x1FFF0, v3  }
0x8b: {  	v3 =	vor.u32 v1, v3  }
.Ltmp8:
0x8c: {  	(pc) =	sbr.rel @p0 .LBB2_18-.Ltmp8, $2  }
0x8d: {  	_ =	sdelay $0x2  }
0x8e: {  	s18 =	sshra.s32 s17, $0x2;
	s17 =	sadd.s32 $0x40, s17;
	[tilespmem:v3+s14+$0x0] =	vst.idx.add.s32.msk $0xffff, v2  }
0x8f: {  	v3 =	vld [tilespmem:s18+$0x0];
	_ =	sdelay $0x4  }
0x90: {  	v3 =	vshrl.u32 v3, $0xF  }
0x91: {  	v3 =	vand.u32 $0x1FFF0, v3  }
0x92: {  	v3 =	vor.u32 v1, v3;
	_ =	sdelay $0x2  }
0x93: {  	s2 =	sadd.s32 $0x1, s2  }
0x94: {  	p0 =	sne.s32 s2, s12  }
.Ltmp9:
0x95: {  	[tilespmem:v3+s14+$0x0] =	vst.idx.add.s32.msk $0xffff, v2;
	(pc) =	sbr.rel @p0 .LBB2_1-.Ltmp9, $4  }
0x96: {  	[hbm4b:s11+s15] =	stream.strided.scatter [tilespmem:s14], [sflag:$0x1], $0x10000, s16, s15, $0x38;
	[tilespmem:$0x12000] =	vst v63  }
0x97: {  	_ =	swait.ge [sflag:s13], $0x10000  }
0x98: {  	[sflag:s13] =	ssyncset.done $0x0  }
0x99: {  	[sflag:s13] =	ssyncadd.s32 $0xFFFF0000  }
0x9a: {  	_ =	sfence.sel $0x180000  }
0x9b: {  	[bflag:$0x0] =	sbarrier.arrive $0xFFFF  }
0x9c: {  	p0 =	sne.s32 s1, $0x0;
	_ =	strace $0x90000047  }
0x9d: {  	s0 =	sadd.s32 @!p0 $0x100000, s0;
	[bflag:$0x2] =	sbarrier.arrive $0xFFFF  }
0x9e: {  	[sflag:s0] =	ssyncadd.tile.s32 @!p0 $0x1;
	_ =	shalt  }
.Lfunc_end2:
_tile_overlayer_lowered:
.L_overlay_start_2:
0x9f: {  	(tag) =	ssettag $0x2  }
0xa0: {  	s0 =	rddreg [dreg:$0x0];
	s2 =	stileid.u32  }
0xa1: {  	s1 =	rddreg [dreg:$0x1];
	p0 =	sne.s32 s2, $0x0  }
0xa2: {  	s3 =	rddreg [dreg:$0x2];
	[bflag:$0x3] =	sbarrier.arrive $0xFFFF;
	s2 =	simm.s32 @!p0 $0x1C01  }
0xa3: {  	[timem:s3], [sflag:s2] =	dma.local @!p0 [hbm:s0], s1  }
0xa4: {  	s0 =	simm.s32 @!p0 $0x1  }
0xa5: {  	_ =	swait.ge @!p0 [sflag:s0], s1  }
0xa6: {  	s1 =	ssub.s32 @!p0 $0x0, s1;
	[sflag:s0] =	ssyncset.done @!p0 $0x0  }
0xa7: {  	[sflag:s0] =	ssyncadd.s32 @!p0 s1  }
0xa8: {  	[bflag:$0x3] =	sbarrier.arrive $0xFFFF  }
0xa9: {  	_ =	shalt  }

</sc_bundles>
